<compile_context>
chip_gen: v7x
topology: tpu7x:2x2x1
jax: 0.10.2.dev20260603
libtpu: 0.0.44.dev20260713+nightly
codegen_flags: <defaults>
</compile_context>

<pallas_src>
import functools

import jax
import jax.numpy as jnp
from jax import lax
from jax.experimental import pallas as pl
from jax.experimental.pallas import tpu as pltpu
from jax.experimental.pallas import tpu_sc as plsc

_B = 16384
_V_USER, _V_SMALL = 1000000, 1000
_D_USER, _D_COUNTRY, _D_DEVICE, _D_DENSE = 32, 16, 16, 128
_TOTAL = _D_USER + _D_COUNTRY + _D_DEVICE + _D_DENSE
_OUT_D = 128
_EPS = 1.1920928955078125e-07
_VPAD = 1024

_NC, _NS = 2, 16
_BPS = _B // _NS
_STAGE = 65536
_STAGE_TAIL = _V_USER - 15 * _STAGE


def _sc_user_body(uid_hbm, eu_t, out_u, uidx_v, dst_v, row_a, row_b,
                  sem, sem_st):
    c = lax.axis_index("c")
    s = lax.axis_index("s")

    def stage_copies(jl, row_sh):
        j = c * _NS + jl
        main = pltpu.make_async_copy(
            eu_t.at[pl.ds(j, 1), pl.ds(s * _STAGE, _STAGE)],
            row_sh.at[pl.ds(0, 1), pl.ds(s * _STAGE, _STAGE)],
            sem_st)
        tail = pltpu.make_async_copy(
            eu_t.at[pl.ds(j, 1), pl.ds(15 * _STAGE, _STAGE_TAIL)],
            row_sh.at[pl.ds(0, 1), pl.ds(15 * _STAGE, _STAGE_TAIL)],
            sem_st)
        return main, tail

    def stage_start(jl, row_sh):
        main, tail = stage_copies(jl, row_sh)

        @pl.when(s < 15)
        def _():
            main.start()

        @pl.when(s == 15)
        def _():
            tail.start()

    def stage_wait(jl, row_sh):
        main, tail = stage_copies(jl, row_sh)

        @pl.when(s < 15)
        def _():
            main.wait()

        @pl.when(s == 15)
        def _():
            tail.wait()

    stage_start(0, row_a)
    pltpu.sync_copy(uid_hbm.at[pl.ds(s * _BPS, _BPS)], uidx_v)
    stage_wait(0, row_a)
    plsc.subcore_barrier()

    def half_step(jl, cur_row, nxt_row):
        j = c * _NS + jl

        @pl.when(jl < _NS - 1)
        def _():
            stage_start(jl + 1, nxt_row)

        pltpu.async_copy(cur_row.at[0].at[uidx_v], dst_v.at[0], sem).wait()
        pltpu.sync_copy(dst_v, out_u.at[pl.ds(j, 1), pl.ds(s * _BPS, _BPS)])

        @pl.when(jl < _NS - 1)
        def _():
            stage_wait(jl + 1, nxt_row)

        plsc.subcore_barrier()

    def step(p, carry):
        half_step(2 * p, row_a, row_b)
        half_step(2 * p + 1, row_b, row_a)
        return carry

    lax.fori_loop(0, _NS // 2, step, 0)


def _sc_user_gather(user_id, emb_user_t):
    return pl.kernel(
        _sc_user_body,
        out_type=jax.ShapeDtypeStruct((_D_USER, _B), jnp.float32),
        mesh=plsc.VectorSubcoreMesh(core_axis_name="c", subcore_axis_name="s"),
        compiler_params=pltpu.CompilerParams(use_tc_tiling_on_sc=True),
        scratch_types=[
            pltpu.VMEM((_BPS,), jnp.int32),
            pltpu.VMEM((1, _BPS), jnp.float32),
            pltpu.VMEM_SHARED((1, _V_USER), jnp.float32),
            pltpu.VMEM_SHARED((1, _V_USER), jnp.float32),
            pltpu.SemaphoreType.DMA,
            pltpu.SemaphoreType.DMA,
        ],
    )(user_id, emb_user_t)


def _tc_dense_body(x_ref, rwx_ref, wx_ref, out_ref, ssq_ref):
    x = x_ref[...]
    ws = wx_ref[...] * rwx_ref[...]
    out_ref[...] = jnp.dot(x, ws, preferred_element_type=jnp.float32)
    ssq_ref[...] = jnp.sum(x * x, axis=1, keepdims=True)


def _tc_dense_partial(dense_profile, rms_weight, W, blk=2048):
    grid = _B // blk
    rwx = lax.slice(rms_weight, (_TOTAL - _D_DENSE,), (_TOTAL,)).reshape(
        _D_DENSE, 1)
    wx = lax.slice(W, (_TOTAL - _D_DENSE, 0), (_TOTAL, _OUT_D))
    return pl.pallas_call(
        _tc_dense_body,
        grid=(grid,),
        in_specs=[
            pl.BlockSpec((blk, _D_DENSE), lambda i: (i, 0)),
            pl.BlockSpec((_D_DENSE, 1), lambda i: (0, 0)),
            pl.BlockSpec((_D_DENSE, _OUT_D), lambda i: (0, 0)),
        ],
        out_specs=[
            pl.BlockSpec((blk, _OUT_D), lambda i: (i, 0)),
            pl.BlockSpec((blk, 1), lambda i: (i, 0)),
        ],
        out_shape=[
            jax.ShapeDtypeStruct((_B, _OUT_D), jnp.float32),
            jax.ShapeDtypeStruct((_B, 1), jnp.float32),
        ],
    )(dense_profile, rwx, wx)


_D_EMB = _D_USER + _D_COUNTRY + _D_DEVICE


def _lane_gather(tblt, idx2):
    ilo = jnp.bitwise_and(idx2, 127)
    ihi = jnp.right_shift(idx2, 7)
    out = jnp.zeros(idx2.shape, jnp.float32)
    for ci in range(8):
        part = jnp.take_along_axis(tblt[:, ci * 128:(ci + 1) * 128], ilo,
                                   axis=1)
        out = jnp.where(ihi == ci, part, out)
    return out


def _tc_combine_body(ut_ref, ci_ref, di_ref, ctbl_ref, dtbl_ref, part_ref,
                     ssqx_ref, rwe_ref, we_ref, b_ref, out_ref):
    ut = ut_ref[...]
    ct = _lane_gather(ctbl_ref[...], ci_ref[...])
    dt = _lane_gather(dtbl_ref[...], di_ref[...])
    part = part_ref[...]
    dnums_t = (((0,), (0,)), ((), ()))
    ones_u = jnp.ones((_D_USER, 1), jnp.float32)
    ones_s = jnp.ones((_D_COUNTRY, 1), jnp.float32)
    ssq = (lax.dot_general(ut * ut, ones_u, dnums_t,
                           preferred_element_type=jnp.float32)
           + lax.dot_general(ct * ct, ones_s, dnums_t,
                             preferred_element_type=jnp.float32)
           + lax.dot_general(dt * dt, ones_s, dnums_t,
                             preferred_element_type=jnp.float32)
           + ssqx_ref[...])
    scale = lax.rsqrt(ssq * (1.0 / _TOTAL) + _EPS)
    ws = we_ref[...] * rwe_ref[...]
    s0, s1 = _D_USER, _D_USER + _D_COUNTRY
    acc = lax.dot_general(ut, ws[0:s0], dnums_t,
                          preferred_element_type=jnp.float32)
    acc += lax.dot_general(ct, ws[s0:s1], dnums_t,
                           preferred_element_type=jnp.float32)
    acc += lax.dot_general(dt, ws[s1:_D_EMB], dnums_t,
                           preferred_element_type=jnp.float32)
    acc += part
    out_ref[...] = acc * scale + b_ref[...]


def _tc_combine(e_user_t, cidx_b, didx_b, ctblt, dtblt, partial, ssq_x,
                rms_weight, W, b, blk=2048):
    grid = _B // blk
    rwe = lax.slice(rms_weight, (0,), (_D_EMB,)).reshape(_D_EMB, 1)
    we = lax.slice(W, (0, 0), (_D_EMB, _OUT_D))
    b2 = b.reshape(1, _OUT_D)
    return pl.pallas_call(
        _tc_combine_body,
        grid=(grid,),
        in_specs=[
            pl.BlockSpec((_D_USER, blk), lambda i: (0, i)),
            pl.BlockSpec((_D_COUNTRY, blk), lambda i: (0, i)),
            pl.BlockSpec((_D_DEVICE, blk), lambda i: (0, i)),
            pl.BlockSpec((_D_COUNTRY, _VPAD), lambda i: (0, 0)),
            pl.BlockSpec((_D_DEVICE, _VPAD), lambda i: (0, 0)),
            pl.BlockSpec((blk, _OUT_D), lambda i: (i, 0)),
            pl.BlockSpec((blk, 1), lambda i: (i, 0)),
            pl.BlockSpec((_D_EMB, 1), lambda i: (0, 0)),
            pl.BlockSpec((_D_EMB, _OUT_D), lambda i: (0, 0)),
            pl.BlockSpec((1, _OUT_D), lambda i: (0, 0)),
        ],
        out_specs=pl.BlockSpec((blk, _OUT_D), lambda i: (i, 0)),
        out_shape=jax.ShapeDtypeStruct((_B, _OUT_D), jnp.float32),
    )(e_user_t, cidx_b, didx_b, ctblt, dtblt, partial, ssq_x, rwe, we, b2)


def kernel(user_id, country, device, dense_profile, emb_user, emb_country,
           emb_device, rms_weight, W, b):
    e_user_t = _sc_user_gather(user_id.astype(jnp.int32), emb_user.T)
    partial, ssq_x = _tc_dense_partial(dense_profile, rms_weight, W)
    cidx_b = jnp.broadcast_to(country.reshape(1, _B), (_D_COUNTRY, _B))
    didx_b = jnp.broadcast_to(device.reshape(1, _B), (_D_DEVICE, _B))
    ctblt = jnp.pad(emb_country.T, ((0, 0), (0, _VPAD - _V_SMALL)))
    dtblt = jnp.pad(emb_device.T, ((0, 0), (0, _VPAD - _V_SMALL)))
    return _tc_combine(e_user_t, cidx_b, didx_b, ctblt, dtblt, partial,
                       ssq_x, rms_weight, W, b)

# --- scband reference (transcript-rebuilt; emitter-appended) ---
"""Pipeline reference for scband-user-tower-32693291057601 (READ-ONLY COPY).

The authoritative reference and input builder live on the scoring server;
editing this copy changes nothing except your own understanding.
"""

import jax, jax.numpy as jnp
import numpy as np

B = 16384
V_USER, D_USER = 1000000, 32
V_COUNTRY, D_COUNTRY = 1000, 16
V_DEVICE, D_DEVICE = 1000, 16
D_DENSE = 128
TOTAL = D_USER + D_COUNTRY + D_DEVICE + D_DENSE  # 192
OUT_D = 128
EPS = 1.1920928955078125e-07  # torch.finfo(float32).eps (RMSNorm default eps=None)


def setup_inputs(seed: int = 0) -> dict:
    key = jax.random.key(seed)
    ks = jax.random.split(key, 9)
    user_id = jax.random.randint(ks[0], (B,), 0, V_USER, dtype=jnp.int64) if jax.config.jax_enable_x64 else jax.random.randint(ks[0], (B,), 0, V_USER, dtype=jnp.int32)
    country = jax.random.randint(ks[1], (B,), 0, V_COUNTRY, dtype=jnp.int32)
    device = jax.random.randint(ks[2], (B,), 0, V_DEVICE, dtype=jnp.int32)
    dense_profile = jax.random.normal(ks[3], (B, D_DENSE), dtype=jnp.float32)
    emb_user = jax.random.normal(ks[4], (V_USER, D_USER), dtype=jnp.float32) * 0.02
    emb_country = jax.random.normal(ks[5], (V_COUNTRY, D_COUNTRY), dtype=jnp.float32) * 0.02
    emb_device = jax.random.normal(ks[6], (V_DEVICE, D_DEVICE), dtype=jnp.float32) * 0.02
    rms_weight = jnp.ones((TOTAL,), dtype=jnp.float32)
    W = jax.random.normal(ks[7], (TOTAL, OUT_D), dtype=jnp.float32) * (1.0 / np.sqrt(TOTAL))
    b = jnp.zeros((OUT_D,), dtype=jnp.float32)
    return {
        'user_id': user_id, 'country': country, 'device': device,
        'dense_profile': dense_profile,
        'emb_user': emb_user, 'emb_country': emb_country, 'emb_device': emb_device,
        'rms_weight': rms_weight, 'W': W, 'b': b,
    }


def reference(user_id, country, device, dense_profile, emb_user, emb_country, emb_device, rms_weight, W, b):
    # feature processing: embedding lookups for id feats, identity for dense
    e_user = jnp.take(emb_user, user_id, axis=0)
    e_country = jnp.take(emb_country, country, axis=0)
    e_device = jnp.take(emb_device, device, axis=0)
    concat = jnp.concatenate([e_user, e_country, e_device, dense_profile], axis=1)
    # RMSNorm over last dim
    ms = jnp.mean(jnp.square(concat), axis=-1, keepdims=True)
    rms = concat * jax.lax.rsqrt(ms + EPS) * rms_weight
    # Linear projection
    user_embedding = rms @ W + b
    return user_embedding

if __name__ == "__main__":
    import jax
    _d = setup_inputs()
    print(jax.jit(kernel)(*tuple(_d.values())))

</pallas_src>

<mosaic_0001>
#map = affine_map<(d0, d1) -> (0)>
#map1 = affine_map<(d0, d1) -> (0, 0)>
module attributes {stable_mosaic.version = 14 : i64} {
  func.func @_sc_user_body(%arg0: i32, %arg1: i32, %arg2: memref<16384xi32, #tpu.memory_space<hbm>>, %arg3: memref<32x1000000xf32, #tpu.memory_space<hbm>>, %arg4: memref<32x16384xf32, #tpu.memory_space<hbm>>, %arg5: memref<1024xi32, #tpu.memory_space<vmem>>, %arg6: memref<1x1024xf32, #tpu.memory_space<vmem>>, %arg7: memref<1x1000000xf32, #tpu.memory_space<vmem_shared>>, %arg8: memref<1x1000000xf32, #tpu.memory_space<vmem_shared>>, %arg9: memref<!tpu.dma_semaphore, #tpu.memory_space<semaphore_mem>>, %arg10: memref<!tpu.dma_semaphore, #tpu.memory_space<semaphore_mem>>) attributes {dimension_semantics = [#tpu.dimension_semantics<core_parallel>, #tpu.dimension_semantics<subcore_parallel>], iteration_bounds = array<i64: 2, 16>, scalar_prefetch = 0 : i64, scratch_operands = 6 : i64, tpu.core_type = #tpu.core_type<sc_vector_subcore>, window_params = [{transform_indices = #map}, {transform_indices = #map1}, {transform_indices = #map1}]} {
    %mul3A = arith.constant 16 : i32
    %mul3A_0 = arith.muli %arg0, %mul3A : i32
    %add3A = arith.constant 0 : i32
    %add3A_1 = arith.addi %mul3A_0, %add3A : i32
    %mul3A_2 = arith.constant 65536 : i32
    %mul3A_3 = arith.muli %arg1, %mul3A_2 : i32
    %mul3A_4 = arith.constant 65536 : i32
    %mul3A_5 = arith.muli %arg1, %mul3A_4 : i32
    %lt3A = arith.constant 15 : i32
    %lt3A_6 = arith.cmpi slt, %arg1, %lt3A : i32
    %convert_element_type3A = arith.extui %lt3A_6 : i1 to i32
    %cond3A = arith.constant 0 : i32
    %cond3A_7 = arith.cmpi ne, %convert_element_type3A, %cond3A : i32
    scf.if %cond3A_7 {
      %dma_start3A = arith.constant 0 : i32
      %dma_start3A_37 = tpu.memref_slice %arg7[%dma_start3A, %mul3A_5] : memref<1x1000000xf32, #tpu.memory_space<vmem_shared>> -> memref<1x65536xf32, #tpu.memory_space<vmem_shared>>
      %dma_start3A_38 = tpu.memref_slice %arg3[%add3A_1, %mul3A_3] : memref<32x1000000xf32, #tpu.memory_space<hbm>> -> memref<1x65536xf32, #tpu.memory_space<hbm>>
      tpu.enqueue_dma source(%dma_start3A_38 : memref<1x65536xf32, #tpu.memory_space<hbm>>) target(%dma_start3A_37 : memref<1x65536xf32, #tpu.memory_space<vmem_shared>>) target_semaphore(%arg10 : memref<!tpu.dma_semaphore, #tpu.memory_space<semaphore_mem>>)
    } else {
    }
    %eq3A = arith.constant 15 : i32
    %eq3A_8 = arith.cmpi eq, %arg1, %eq3A : i32
    %convert_element_type3A_9 = arith.extui %eq3A_8 : i1 to i32
    %cond3A_10 = arith.constant 0 : i32
    %cond3A_11 = arith.cmpi ne, %convert_element_type3A_9, %cond3A_10 : i32
    scf.if %cond3A_11 {
      %dma_start3A = arith.constant 0 : i32
      %dma_start3A_37 = arith.constant 983040 : i32
      %dma_start3A_38 = tpu.memref_slice %arg7[%dma_start3A, %dma_start3A_37] : memref<1x1000000xf32, #tpu.memory_space<vmem_shared>> -> memref<1x16960xf32, #tpu.memory_space<vmem_shared>>
      %dma_start3A_39 = arith.constant 983040 : i32
      %dma_start3A_40 = tpu.memref_slice %arg3[%add3A_1, %dma_start3A_39] : memref<32x1000000xf32, #tpu.memory_space<hbm>> -> memref<1x16960xf32, #tpu.memory_space<hbm>>
      tpu.enqueue_dma source(%dma_start3A_40 : memref<1x16960xf32, #tpu.memory_space<hbm>>) target(%dma_start3A_38 : memref<1x16960xf32, #tpu.memory_space<vmem_shared>>) target_semaphore(%arg10 : memref<!tpu.dma_semaphore, #tpu.memory_space<semaphore_mem>>)
    } else {
    }
    %mul3A_12 = arith.constant 1024 : i32
    %mul3A_13 = arith.muli %arg1, %mul3A_12 : i32
    "tpu.region"() ({
      %run_scoped3A = tpu.sem_alloc : memref<!tpu.dma_semaphore, #tpu.memory_space<semaphore_mem>>
      %dma_start3A = tpu.memref_slice %arg2[%mul3A_13] : memref<16384xi32, #tpu.memory_space<hbm>> -> memref<1024xi32, #tpu.memory_space<hbm>>
      %dma_start3A_37 = tpu.memref_slice %arg2[%mul3A_13] : memref<16384xi32, #tpu.memory_space<hbm>> -> memref<1024xi32, #tpu.memory_space<hbm>>
      tpu.enqueue_dma source(%dma_start3A_37 : memref<1024xi32, #tpu.memory_space<hbm>>) target(%arg5 : memref<1024xi32, #tpu.memory_space<vmem>>) target_semaphore(%run_scoped3A : memref<!tpu.dma_semaphore, #tpu.memory_space<semaphore_mem>>)
      %dma_wait3A = tpu.memref_slice %arg2[%mul3A_13] : memref<16384xi32, #tpu.memory_space<hbm>> -> memref<1024xi32, #tpu.memory_space<hbm>>
      %dma_wait3A_38 = tpu.memref_slice %arg2[%mul3A_13] : memref<16384xi32, #tpu.memory_space<hbm>> -> memref<1024xi32, #tpu.memory_space<hbm>>
      tpu.wait_dma2 semaphore(%run_scoped3A : memref<!tpu.dma_semaphore, #tpu.memory_space<semaphore_mem>>) src(%dma_wait3A_38 : memref<1024xi32, #tpu.memory_space<hbm>>) dst(%arg5 : memref<1024xi32, #tpu.memory_space<vmem>>)
      tpu.yield
    }) : () -> ()
    %mul3A_14 = arith.constant 16 : i32
    %mul3A_15 = arith.muli %arg0, %mul3A_14 : i32
    %add3A_16 = arith.constant 0 : i32
    %add3A_17 = arith.addi %mul3A_15, %add3A_16 : i32
    %mul3A_18 = arith.constant 65536 : i32
    %mul3A_19 = arith.muli %arg1, %mul3A_18 : i32
    %mul3A_20 = arith.constant 65536 : i32
    %mul3A_21 = arith.muli %arg1, %mul3A_20 : i32
    %lt3A_22 = arith.constant 15 : i32
    %lt3A_23 = arith.cmpi slt, %arg1, %lt3A_22 : i32
    %convert_element_type3A_24 = arith.extui %lt3A_23 : i1 to i32
    %cond3A_25 = arith.constant 0 : i32
    %cond3A_26 = arith.cmpi ne, %convert_element_type3A_24, %cond3A_25 : i32
    scf.if %cond3A_26 {
      %dma_wait3A = arith.constant 0 : i32
      %dma_wait3A_37 = tpu.memref_slice %arg7[%dma_wait3A, %mul3A_21] : memref<1x1000000xf32, #tpu.memory_space<vmem_shared>> -> memref<1x65536xf32, #tpu.memory_space<vmem_shared>>
      %dma_wait3A_38 = tpu.memref_slice %arg3[%add3A_17, %mul3A_19] : memref<32x1000000xf32, #tpu.memory_space<hbm>> -> memref<1x65536xf32, #tpu.memory_space<hbm>>
      tpu.wait_dma2 semaphore(%arg10 : memref<!tpu.dma_semaphore, #tpu.memory_space<semaphore_mem>>) src(%dma_wait3A_38 : memref<1x65536xf32, #tpu.memory_space<hbm>>) dst(%dma_wait3A_37 : memref<1x65536xf32, #tpu.memory_space<vmem_shared>>)
    } else {
    }
    %eq3A_27 = arith.constant 15 : i32
    %eq3A_28 = arith.cmpi eq, %arg1, %eq3A_27 : i32
    %convert_element_type3A_29 = arith.extui %eq3A_28 : i1 to i32
    %cond3A_30 = arith.constant 0 : i32
    %cond3A_31 = arith.cmpi ne, %convert_element_type3A_29, %cond3A_30 : i32
    scf.if %cond3A_31 {
      %dma_wait3A = arith.constant 0 : i32
      %dma_wait3A_37 = arith.constant 983040 : i32
      %dma_wait3A_38 = tpu.memref_slice %arg7[%dma_wait3A, %dma_wait3A_37] : memref<1x1000000xf32, #tpu.memory_space<vmem_shared>> -> memref<1x16960xf32, #tpu.memory_space<vmem_shared>>
      %dma_wait3A_39 = arith.constant 983040 : i32
      %dma_wait3A_40 = tpu.memref_slice %arg3[%add3A_17, %dma_wait3A_39] : memref<32x1000000xf32, #tpu.memory_space<hbm>> -> memref<1x16960xf32, #tpu.memory_space<hbm>>
      tpu.wait_dma2 semaphore(%arg10 : memref<!tpu.dma_semaphore, #tpu.memory_space<semaphore_mem>>) src(%dma_wait3A_40 : memref<1x16960xf32, #tpu.memory_space<hbm>>) dst(%dma_wait3A_38 : memref<1x16960xf32, #tpu.memory_space<vmem_shared>>)
    } else {
    }
    %barrier3A = arith.constant 0 : index
    tpu.barrier barrier_id(%barrier3A)
    %scan3A = arith.constant 0 : i32
    %scan3A_32 = arith.constant 0 : i32
    %scan3A_33 = arith.constant 8 : i32
    %scan3A_34 = arith.addi %scan3A_32, %scan3A_33 : i32
    %scan3A_35 = arith.constant 1 : i32
    scf.for %scan3A_37 = %scan3A_32 to %scan3A_34 step %scan3A_35  : i32 {
      %mul3A_38 = arith.constant 2 : i32
      %mul3A_39 = arith.muli %mul3A_38, %scan3A_37 : i32
      %mul3A_40 = arith.constant 16 : i32
      %mul3A_41 = arith.muli %arg0, %mul3A_40 : i32
      %add3A_42 = arith.addi %mul3A_41, %mul3A_39 : i32
      %lt3A_43 = arith.constant 15 : i32
      %lt3A_44 = arith.cmpi slt, %mul3A_39, %lt3A_43 : i32
      %convert_element_type3A_45 = arith.extui %lt3A_44 : i1 to i32
      %cond3A_46 = arith.constant 0 : i32
      %cond3A_47 = arith.cmpi ne, %convert_element_type3A_45, %cond3A_46 : i32
      scf.if %cond3A_47 {
        %add3A_114 = arith.constant 1 : i32
        %add3A_115 = arith.addi %mul3A_39, %add3A_114 : i32
        %mul3A_116 = arith.constant 16 : i32
        %mul3A_117 = arith.muli %arg0, %mul3A_116 : i32
        %add3A_118 = arith.addi %mul3A_117, %add3A_115 : i32
        %mul3A_119 = arith.constant 65536 : i32
        %mul3A_120 = arith.muli %arg1, %mul3A_119 : i32
        %mul3A_121 = arith.constant 65536 : i32
        %mul3A_122 = arith.muli %arg1, %mul3A_121 : i32
        %lt3A_123 = arith.constant 15 : i32
        %lt3A_124 = arith.cmpi slt, %arg1, %lt3A_123 : i32
        %convert_element_type3A_125 = arith.extui %lt3A_124 : i1 to i32
        %cond3A_126 = arith.constant 0 : i32
        %cond3A_127 = arith.cmpi ne, %convert_element_type3A_125, %cond3A_126 : i32
        scf.if %cond3A_127 {
          %dma_start3A_133 = arith.constant 0 : i32
          %dma_start3A_134 = tpu.memref_slice %arg8[%dma_start3A_133, %mul3A_122] : memref<1x1000000xf32, #tpu.memory_space<vmem_shared>> -> memref<1x65536xf32, #tpu.memory_space<vmem_shared>>
          %dma_start3A_135 = tpu.memref_slice %arg3[%add3A_118, %mul3A_120] : memref<32x1000000xf32, #tpu.memory_space<hbm>> -> memref<1x65536xf32, #tpu.memory_space<hbm>>
          tpu.enqueue_dma source(%dma_start3A_135 : memref<1x65536xf32, #tpu.memory_space<hbm>>) target(%dma_start3A_134 : memref<1x65536xf32, #tpu.memory_space<vmem_shared>>) target_semaphore(%arg10 : memref<!tpu.dma_semaphore, #tpu.memory_space<semaphore_mem>>)
        } else {
        }
        %eq3A_128 = arith.constant 15 : i32
        %eq3A_129 = arith.cmpi eq, %arg1, %eq3A_128 : i32
        %convert_element_type3A_130 = arith.extui %eq3A_129 : i1 to i32
        %cond3A_131 = arith.constant 0 : i32
        %cond3A_132 = arith.cmpi ne, %convert_element_type3A_130, %cond3A_131 : i32
        scf.if %cond3A_132 {
          %dma_start3A_133 = arith.constant 0 : i32
          %dma_start3A_134 = arith.constant 983040 : i32
          %dma_start3A_135 = tpu.memref_slice %arg8[%dma_start3A_133, %dma_start3A_134] : memref<1x1000000xf32, #tpu.memory_space<vmem_shared>> -> memref<1x16960xf32, #tpu.memory_space<vmem_shared>>
          %dma_start3A_136 = arith.constant 983040 : i32
          %dma_start3A_137 = tpu.memref_slice %arg3[%add3A_118, %dma_start3A_136] : memref<32x1000000xf32, #tpu.memory_space<hbm>> -> memref<1x16960xf32, #tpu.memory_space<hbm>>
          tpu.enqueue_dma source(%dma_start3A_137 : memref<1x16960xf32, #tpu.memory_space<hbm>>) target(%dma_start3A_135 : memref<1x16960xf32, #tpu.memory_space<vmem_shared>>) target_semaphore(%arg10 : memref<!tpu.dma_semaphore, #tpu.memory_space<semaphore_mem>>)
        } else {
        }
      } else {
      }
      %dma_start3A = arith.constant 0 : i32
      %dma_start3A_48 = arith.constant 0 : i32
      %dma_start3A_49 = arith.constant 0 : i32
      %dma_start3A_50 = tpu.memref_slice %arg6[%dma_start3A_48, %dma_start3A_49] : memref<1x1024xf32, #tpu.memory_space<vmem>> -> memref<1x1024xf32, #tpu.memory_space<vmem>>
      %dma_start3A_51 = tpu.memref_squeeze %dma_start3A_50 : memref<1x1024xf32, #tpu.memory_space<vmem>> -> memref<1024xf32, #tpu.memory_space<vmem>>
      %dma_start3A_52 = arith.constant 0 : i32
      %dma_start3A_53 = tpu.memref_slice %arg7[%dma_start3A, %dma_start3A_52] : memref<1x1000000xf32, #tpu.memory_space<vmem_shared>> -> memref<1x1000000xf32, #tpu.memory_space<vmem_shared>>
      %dma_start3A_54 = tpu.memref_squeeze %dma_start3A_53 : memref<1x1000000xf32, #tpu.memory_space<vmem_shared>> -> memref<1000000xf32, #tpu.memory_space<vmem_shared>>
      %dma_start3A_55 = arith.constant 0 : i32
      %dma_start3A_56 = tpu.memref_slice %dma_start3A_54[%dma_start3A_55] : memref<1000000xf32, #tpu.memory_space<vmem_shared>> -> memref<1000000xf32, #tpu.memory_space<vmem_shared>>
      tpu.enqueue_indirect_dma source(%dma_start3A_56 : memref<1000000xf32, #tpu.memory_space<vmem_shared>>) target(%dma_start3A_51 : memref<1024xf32, #tpu.memory_space<vmem>>) offsets(%arg5 : memref<1024xi32, #tpu.memory_space<vmem>>) semaphore(%arg9 : memref<!tpu.dma_semaphore, #tpu.memory_space<semaphore_mem>>)
      %dma_wait3A = arith.constant 0 : i32
      %dma_wait3A_57 = arith.constant 0 : i32
      %dma_wait3A_58 = arith.constant 0 : i32
      %dma_wait3A_59 = tpu.memref_slice %arg6[%dma_wait3A_57, %dma_wait3A_58] : memref<1x1024xf32, #tpu.memory_space<vmem>> -> memref<1x1024xf32, #tpu.memory_space<vmem>>
      %dma_wait3A_60 = tpu.memref_squeeze %dma_wait3A_59 : memref<1x1024xf32, #tpu.memory_space<vmem>> -> memref<1024xf32, #tpu.memory_space<vmem>>
      %dma_wait3A_61 = arith.constant 0 : i32
      %dma_wait3A_62 = tpu.memref_slice %arg7[%dma_wait3A, %dma_wait3A_61] : memref<1x1000000xf32, #tpu.memory_space<vmem_shared>> -> memref<1x1000000xf32, #tpu.memory_space<vmem_shared>>
      %dma_wait3A_63 = tpu.memref_squeeze %dma_wait3A_62 : memref<1x1000000xf32, #tpu.memory_space<vmem_shared>> -> memref<1000000xf32, #tpu.memory_space<vmem_shared>>
      %dma_wait3A_64 = arith.constant 0 : i32
      %dma_wait3A_65 = tpu.memref_slice %dma_wait3A_63[%dma_wait3A_64] : memref<1000000xf32, #tpu.memory_space<vmem_shared>> -> memref<1000000xf32, #tpu.memory_space<vmem_shared>>
      tpu.wait_indirect_dma semaphore(%arg9 : memref<!tpu.dma_semaphore, #tpu.memory_space<semaphore_mem>>) src(%dma_wait3A_65 : memref<1000000xf32, #tpu.memory_space<vmem_shared>>) dst(%dma_wait3A_60 : memref<1024xf32, #tpu.memory_space<vmem>>)
      %mul3A_66 = arith.constant 1024 : i32
      %mul3A_67 = arith.muli %arg1, %mul3A_66 : i32
      "tpu.region"() ({
        %run_scoped3A = tpu.sem_alloc : memref<!tpu.dma_semaphore, #tpu.memory_space<semaphore_mem>>
        %dma_start3A_114 = tpu.memref_slice %arg4[%add3A_42, %mul3A_67] : memref<32x16384xf32, #tpu.memory_space<hbm>> -> memref<1x1024xf32, #tpu.memory_space<hbm>>
        %dma_start3A_115 = tpu.memref_slice %arg4[%add3A_42, %mul3A_67] : memref<32x16384xf32, #tpu.memory_space<hbm>> -> memref<1x1024xf32, #tpu.memory_space<hbm>>
        tpu.enqueue_dma source(%arg6 : memref<1x1024xf32, #tpu.memory_space<vmem>>) target(%dma_start3A_115 : memref<1x1024xf32, #tpu.memory_space<hbm>>) target_semaphore(%run_scoped3A : memref<!tpu.dma_semaphore, #tpu.memory_space<semaphore_mem>>)
        %dma_wait3A_116 = tpu.memref_slice %arg4[%add3A_42, %mul3A_67] : memref<32x16384xf32, #tpu.memory_space<hbm>> -> memref<1x1024xf32, #tpu.memory_space<hbm>>
        %dma_wait3A_117 = tpu.memref_slice %arg4[%add3A_42, %mul3A_67] : memref<32x16384xf32, #tpu.memory_space<hbm>> -> memref<1x1024xf32, #tpu.memory_space<hbm>>
        tpu.wait_dma2 semaphore(%run_scoped3A : memref<!tpu.dma_semaphore, #tpu.memory_space<semaphore_mem>>) src(%arg6 : memref<1x1024xf32, #tpu.memory_space<vmem>>) dst(%dma_wait3A_117 : memref<1x1024xf32, #tpu.memory_space<hbm>>)
        tpu.yield
      }) : () -> ()
      %lt3A_68 = arith.constant 15 : i32
      %lt3A_69 = arith.cmpi slt, %mul3A_39, %lt3A_68 : i32
      %convert_element_type3A_70 = arith.extui %lt3A_69 : i1 to i32
      %cond3A_71 = arith.constant 0 : i32
      %cond3A_72 = arith.cmpi ne, %convert_element_type3A_70, %cond3A_71 : i32
      scf.if %cond3A_72 {
        %add3A_114 = arith.constant 1 : i32
        %add3A_115 = arith.addi %mul3A_39, %add3A_114 : i32
        %mul3A_116 = arith.constant 16 : i32
        %mul3A_117 = arith.muli %arg0, %mul3A_116 : i32
        %add3A_118 = arith.addi %mul3A_117, %add3A_115 : i32
        %mul3A_119 = arith.constant 65536 : i32
        %mul3A_120 = arith.muli %arg1, %mul3A_119 : i32
        %mul3A_121 = arith.constant 65536 : i32
        %mul3A_122 = arith.muli %arg1, %mul3A_121 : i32
        %lt3A_123 = arith.constant 15 : i32
        %lt3A_124 = arith.cmpi slt, %arg1, %lt3A_123 : i32
        %convert_element_type3A_125 = arith.extui %lt3A_124 : i1 to i32
        %cond3A_126 = arith.constant 0 : i32
        %cond3A_127 = arith.cmpi ne, %convert_element_type3A_125, %cond3A_126 : i32
        scf.if %cond3A_127 {
          %dma_wait3A_133 = arith.constant 0 : i32
          %dma_wait3A_134 = tpu.memref_slice %arg8[%dma_wait3A_133, %mul3A_122] : memref<1x1000000xf32, #tpu.memory_space<vmem_shared>> -> memref<1x65536xf32, #tpu.memory_space<vmem_shared>>
          %dma_wait3A_135 = tpu.memref_slice %arg3[%add3A_118, %mul3A_120] : memref<32x1000000xf32, #tpu.memory_space<hbm>> -> memref<1x65536xf32, #tpu.memory_space<hbm>>
          tpu.wait_dma2 semaphore(%arg10 : memref<!tpu.dma_semaphore, #tpu.memory_space<semaphore_mem>>) src(%dma_wait3A_135 : memref<1x65536xf32, #tpu.memory_space<hbm>>) dst(%dma_wait3A_134 : memref<1x65536xf32, #tpu.memory_space<vmem_shared>>)
        } else {
        }
        %eq3A_128 = arith.constant 15 : i32
        %eq3A_129 = arith.cmpi eq, %arg1, %eq3A_128 : i32
        %convert_element_type3A_130 = arith.extui %eq3A_129 : i1 to i32
        %cond3A_131 = arith.constant 0 : i32
        %cond3A_132 = arith.cmpi ne, %convert_element_type3A_130, %cond3A_131 : i32
        scf.if %cond3A_132 {
          %dma_wait3A_133 = arith.constant 0 : i32
          %dma_wait3A_134 = arith.constant 983040 : i32
          %dma_wait3A_135 = tpu.memref_slice %arg8[%dma_wait3A_133, %dma_wait3A_134] : memref<1x1000000xf32, #tpu.memory_space<vmem_shared>> -> memref<1x16960xf32, #tpu.memory_space<vmem_shared>>
          %dma_wait3A_136 = arith.constant 983040 : i32
          %dma_wait3A_137 = tpu.memref_slice %arg3[%add3A_118, %dma_wait3A_136] : memref<32x1000000xf32, #tpu.memory_space<hbm>> -> memref<1x16960xf32, #tpu.memory_space<hbm>>
          tpu.wait_dma2 semaphore(%arg10 : memref<!tpu.dma_semaphore, #tpu.memory_space<semaphore_mem>>) src(%dma_wait3A_137 : memref<1x16960xf32, #tpu.memory_space<hbm>>) dst(%dma_wait3A_135 : memref<1x16960xf32, #tpu.memory_space<vmem_shared>>)
        } else {
        }
      } else {
      }
      %barrier3A_73 = arith.constant 0 : index
      tpu.barrier barrier_id(%barrier3A_73)
      %mul3A_74 = arith.constant 2 : i32
      %mul3A_75 = arith.muli %mul3A_74, %scan3A_37 : i32
      %add3A_76 = arith.constant 1 : i32
      %add3A_77 = arith.addi %mul3A_75, %add3A_76 : i32
      %mul3A_78 = arith.constant 16 : i32
      %mul3A_79 = arith.muli %arg0, %mul3A_78 : i32
      %add3A_80 = arith.addi %mul3A_79, %add3A_77 : i32
      %lt3A_81 = arith.constant 15 : i32
      %lt3A_82 = arith.cmpi slt, %add3A_77, %lt3A_81 : i32
      %convert_element_type3A_83 = arith.extui %lt3A_82 : i1 to i32
      %cond3A_84 = arith.constant 0 : i32
      %cond3A_85 = arith.cmpi ne, %convert_element_type3A_83, %cond3A_84 : i32
      scf.if %cond3A_85 {
        %add3A_114 = arith.constant 1 : i32
        %add3A_115 = arith.addi %add3A_77, %add3A_114 : i32
        %mul3A_116 = arith.constant 16 : i32
        %mul3A_117 = arith.muli %arg0, %mul3A_116 : i32
        %add3A_118 = arith.addi %mul3A_117, %add3A_115 : i32
        %mul3A_119 = arith.constant 65536 : i32
        %mul3A_120 = arith.muli %arg1, %mul3A_119 : i32
        %mul3A_121 = arith.constant 65536 : i32
        %mul3A_122 = arith.muli %arg1, %mul3A_121 : i32
        %lt3A_123 = arith.constant 15 : i32
        %lt3A_124 = arith.cmpi slt, %arg1, %lt3A_123 : i32
        %convert_element_type3A_125 = arith.extui %lt3A_124 : i1 to i32
        %cond3A_126 = arith.constant 0 : i32
        %cond3A_127 = arith.cmpi ne, %convert_element_type3A_125, %cond3A_126 : i32
        scf.if %cond3A_127 {
          %dma_start3A_133 = arith.constant 0 : i32
          %dma_start3A_134 = tpu.memref_slice %arg7[%dma_start3A_133, %mul3A_122] : memref<1x1000000xf32, #tpu.memory_space<vmem_shared>> -> memref<1x65536xf32, #tpu.memory_space<vmem_shared>>
          %dma_start3A_135 = tpu.memref_slice %arg3[%add3A_118, %mul3A_120] : memref<32x1000000xf32, #tpu.memory_space<hbm>> -> memref<1x65536xf32, #tpu.memory_space<hbm>>
          tpu.enqueue_dma source(%dma_start3A_135 : memref<1x65536xf32, #tpu.memory_space<hbm>>) target(%dma_start3A_134 : memref<1x65536xf32, #tpu.memory_space<vmem_shared>>) target_semaphore(%arg10 : memref<!tpu.dma_semaphore, #tpu.memory_space<semaphore_mem>>)
        } else {
        }
        %eq3A_128 = arith.constant 15 : i32
        %eq3A_129 = arith.cmpi eq, %arg1, %eq3A_128 : i32
        %convert_element_type3A_130 = arith.extui %eq3A_129 : i1 to i32
        %cond3A_131 = arith.constant 0 : i32
        %cond3A_132 = arith.cmpi ne, %convert_element_type3A_130, %cond3A_131 : i32
        scf.if %cond3A_132 {
          %dma_start3A_133 = arith.constant 0 : i32
          %dma_start3A_134 = arith.constant 983040 : i32
          %dma_start3A_135 = tpu.memref_slice %arg7[%dma_start3A_133, %dma_start3A_134] : memref<1x1000000xf32, #tpu.memory_space<vmem_shared>> -> memref<1x16960xf32, #tpu.memory_space<vmem_shared>>
          %dma_start3A_136 = arith.constant 983040 : i32
          %dma_start3A_137 = tpu.memref_slice %arg3[%add3A_118, %dma_start3A_136] : memref<32x1000000xf32, #tpu.memory_space<hbm>> -> memref<1x16960xf32, #tpu.memory_space<hbm>>
          tpu.enqueue_dma source(%dma_start3A_137 : memref<1x16960xf32, #tpu.memory_space<hbm>>) target(%dma_start3A_135 : memref<1x16960xf32, #tpu.memory_space<vmem_shared>>) target_semaphore(%arg10 : memref<!tpu.dma_semaphore, #tpu.memory_space<semaphore_mem>>)
        } else {
        }
      } else {
      }
      %dma_start3A_86 = arith.constant 0 : i32
      %dma_start3A_87 = arith.constant 0 : i32
      %dma_start3A_88 = arith.constant 0 : i32
      %dma_start3A_89 = tpu.memref_slice %arg6[%dma_start3A_87, %dma_start3A_88] : memref<1x1024xf32, #tpu.memory_space<vmem>> -> memref<1x1024xf32, #tpu.memory_space<vmem>>
      %dma_start3A_90 = tpu.memref_squeeze %dma_start3A_89 : memref<1x1024xf32, #tpu.memory_space<vmem>> -> memref<1024xf32, #tpu.memory_space<vmem>>
      %dma_start3A_91 = arith.constant 0 : i32
      %dma_start3A_92 = tpu.memref_slice %arg8[%dma_start3A_86, %dma_start3A_91] : memref<1x1000000xf32, #tpu.memory_space<vmem_shared>> -> memref<1x1000000xf32, #tpu.memory_space<vmem_shared>>
      %dma_start3A_93 = tpu.memref_squeeze %dma_start3A_92 : memref<1x1000000xf32, #tpu.memory_space<vmem_shared>> -> memref<1000000xf32, #tpu.memory_space<vmem_shared>>
      %dma_start3A_94 = arith.constant 0 : i32
      %dma_start3A_95 = tpu.memref_slice %dma_start3A_93[%dma_start3A_94] : memref<1000000xf32, #tpu.memory_space<vmem_shared>> -> memref<1000000xf32, #tpu.memory_space<vmem_shared>>
      tpu.enqueue_indirect_dma source(%dma_start3A_95 : memref<1000000xf32, #tpu.memory_space<vmem_shared>>) target(%dma_start3A_90 : memref<1024xf32, #tpu.memory_space<vmem>>) offsets(%arg5 : memref<1024xi32, #tpu.memory_space<vmem>>) semaphore(%arg9 : memref<!tpu.dma_semaphore, #tpu.memory_space<semaphore_mem>>)
      %dma_wait3A_96 = arith.constant 0 : i32
      %dma_wait3A_97 = arith.constant 0 : i32
      %dma_wait3A_98 = arith.constant 0 : i32
      %dma_wait3A_99 = tpu.memref_slice %arg6[%dma_wait3A_97, %dma_wait3A_98] : memref<1x1024xf32, #tpu.memory_space<vmem>> -> memref<1x1024xf32, #tpu.memory_space<vmem>>
      %dma_wait3A_100 = tpu.memref_squeeze %dma_wait3A_99 : memref<1x1024xf32, #tpu.memory_space<vmem>> -> memref<1024xf32, #tpu.memory_space<vmem>>
      %dma_wait3A_101 = arith.constant 0 : i32
      %dma_wait3A_102 = tpu.memref_slice %arg8[%dma_wait3A_96, %dma_wait3A_101] : memref<1x1000000xf32, #tpu.memory_space<vmem_shared>> -> memref<1x1000000xf32, #tpu.memory_space<vmem_shared>>
      %dma_wait3A_103 = tpu.memref_squeeze %dma_wait3A_102 : memref<1x1000000xf32, #tpu.memory_space<vmem_shared>> -> memref<1000000xf32, #tpu.memory_space<vmem_shared>>
      %dma_wait3A_104 = arith.constant 0 : i32
      %dma_wait3A_105 = tpu.memref_slice %dma_wait3A_103[%dma_wait3A_104] : memref<1000000xf32, #tpu.memory_space<vmem_shared>> -> memref<1000000xf32, #tpu.memory_space<vmem_shared>>
      tpu.wait_indirect_dma semaphore(%arg9 : memref<!tpu.dma_semaphore, #tpu.memory_space<semaphore_mem>>) src(%dma_wait3A_105 : memref<1000000xf32, #tpu.memory_space<vmem_shared>>) dst(%dma_wait3A_100 : memref<1024xf32, #tpu.memory_space<vmem>>)
      %mul3A_106 = arith.constant 1024 : i32
      %mul3A_107 = arith.muli %arg1, %mul3A_106 : i32
      "tpu.region"() ({
        %run_scoped3A = tpu.sem_alloc : memref<!tpu.dma_semaphore, #tpu.memory_space<semaphore_mem>>
        %dma_start3A_114 = tpu.memref_slice %arg4[%add3A_80, %mul3A_107] : memref<32x16384xf32, #tpu.memory_space<hbm>> -> memref<1x1024xf32, #tpu.memory_space<hbm>>
        %dma_start3A_115 = tpu.memref_slice %arg4[%add3A_80, %mul3A_107] : memref<32x16384xf32, #tpu.memory_space<hbm>> -> memref<1x1024xf32, #tpu.memory_space<hbm>>
        tpu.enqueue_dma source(%arg6 : memref<1x1024xf32, #tpu.memory_space<vmem>>) target(%dma_start3A_115 : memref<1x1024xf32, #tpu.memory_space<hbm>>) target_semaphore(%run_scoped3A : memref<!tpu.dma_semaphore, #tpu.memory_space<semaphore_mem>>)
        %dma_wait3A_116 = tpu.memref_slice %arg4[%add3A_80, %mul3A_107] : memref<32x16384xf32, #tpu.memory_space<hbm>> -> memref<1x1024xf32, #tpu.memory_space<hbm>>
        %dma_wait3A_117 = tpu.memref_slice %arg4[%add3A_80, %mul3A_107] : memref<32x16384xf32, #tpu.memory_space<hbm>> -> memref<1x1024xf32, #tpu.memory_space<hbm>>
        tpu.wait_dma2 semaphore(%run_scoped3A : memref<!tpu.dma_semaphore, #tpu.memory_space<semaphore_mem>>) src(%arg6 : memref<1x1024xf32, #tpu.memory_space<vmem>>) dst(%dma_wait3A_117 : memref<1x1024xf32, #tpu.memory_space<hbm>>)
        tpu.yield
      }) : () -> ()
      %lt3A_108 = arith.constant 15 : i32
      %lt3A_109 = arith.cmpi slt, %add3A_77, %lt3A_108 : i32
      %convert_element_type3A_110 = arith.extui %lt3A_109 : i1 to i32
      %cond3A_111 = arith.constant 0 : i32
      %cond3A_112 = arith.cmpi ne, %convert_element_type3A_110, %cond3A_111 : i32
      scf.if %cond3A_112 {
        %add3A_114 = arith.constant 1 : i32
        %add3A_115 = arith.addi %add3A_77, %add3A_114 : i32
        %mul3A_116 = arith.constant 16 : i32
        %mul3A_117 = arith.muli %arg0, %mul3A_116 : i32
        %add3A_118 = arith.addi %mul3A_117, %add3A_115 : i32
        %mul3A_119 = arith.constant 65536 : i32
        %mul3A_120 = arith.muli %arg1, %mul3A_119 : i32
        %mul3A_121 = arith.constant 65536 : i32
        %mul3A_122 = arith.muli %arg1, %mul3A_121 : i32
        %lt3A_123 = arith.constant 15 : i32
        %lt3A_124 = arith.cmpi slt, %arg1, %lt3A_123 : i32
        %convert_element_type3A_125 = arith.extui %lt3A_124 : i1 to i32
        %cond3A_126 = arith.constant 0 : i32
        %cond3A_127 = arith.cmpi ne, %convert_element_type3A_125, %cond3A_126 : i32
        scf.if %cond3A_127 {
          %dma_wait3A_133 = arith.constant 0 : i32
          %dma_wait3A_134 = tpu.memref_slice %arg7[%dma_wait3A_133, %mul3A_122] : memref<1x1000000xf32, #tpu.memory_space<vmem_shared>> -> memref<1x65536xf32, #tpu.memory_space<vmem_shared>>
          %dma_wait3A_135 = tpu.memref_slice %arg3[%add3A_118, %mul3A_120] : memref<32x1000000xf32, #tpu.memory_space<hbm>> -> memref<1x65536xf32, #tpu.memory_space<hbm>>
          tpu.wait_dma2 semaphore(%arg10 : memref<!tpu.dma_semaphore, #tpu.memory_space<semaphore_mem>>) src(%dma_wait3A_135 : memref<1x65536xf32, #tpu.memory_space<hbm>>) dst(%dma_wait3A_134 : memref<1x65536xf32, #tpu.memory_space<vmem_shared>>)
        } else {
        }
        %eq3A_128 = arith.constant 15 : i32
        %eq3A_129 = arith.cmpi eq, %arg1, %eq3A_128 : i32
        %convert_element_type3A_130 = arith.extui %eq3A_129 : i1 to i32
        %cond3A_131 = arith.constant 0 : i32
        %cond3A_132 = arith.cmpi ne, %convert_element_type3A_130, %cond3A_131 : i32
        scf.if %cond3A_132 {
          %dma_wait3A_133 = arith.constant 0 : i32
          %dma_wait3A_134 = arith.constant 983040 : i32
          %dma_wait3A_135 = tpu.memref_slice %arg7[%dma_wait3A_133, %dma_wait3A_134] : memref<1x1000000xf32, #tpu.memory_space<vmem_shared>> -> memref<1x16960xf32, #tpu.memory_space<vmem_shared>>
          %dma_wait3A_136 = arith.constant 983040 : i32
          %dma_wait3A_137 = tpu.memref_slice %arg3[%add3A_118, %dma_wait3A_136] : memref<32x1000000xf32, #tpu.memory_space<hbm>> -> memref<1x16960xf32, #tpu.memory_space<hbm>>
          tpu.wait_dma2 semaphore(%arg10 : memref<!tpu.dma_semaphore, #tpu.memory_space<semaphore_mem>>) src(%dma_wait3A_137 : memref<1x16960xf32, #tpu.memory_space<hbm>>) dst(%dma_wait3A_135 : memref<1x16960xf32, #tpu.memory_space<vmem_shared>>)
        } else {
        }
      } else {
      }
      %barrier3A_113 = arith.constant 0 : index
      tpu.barrier barrier_id(%barrier3A_113)
    }
    %scan3A_36 = arith.constant 8 : i32
    return
  }
}

module attributes {stable_mosaic.version = 14 : i64} {
  func.func @_tc_dense_body(%arg0: i32, %arg1: memref<2048x128xf32, #tpu.memory_space<vmem>>, %arg2: memref<128x1xf32, #tpu.memory_space<vmem>>, %arg3: memref<128x128xf32, #tpu.memory_space<vmem>>, %arg4: memref<2048x128xf32, #tpu.memory_space<vmem>>, %arg5: memref<2048x1xf32, #tpu.memory_space<vmem>>) attributes {dimension_semantics = [#tpu.dimension_semantics<arbitrary>], iteration_bounds = array<i64: 8>, scalar_prefetch = 0 : i64, scratch_operands = 0 : i64, tpu.core_type = #tpu.core_type<tc>, window_params = [{transform_indices = @transform_0, window_bounds = array<i64: 2048, 128>}, {pipeline_mode = #tpu.pipeline_mode<synchronous>, transform_indices = @transform_1, window_bounds = array<i64: 128, 1>}, {pipeline_mode = #tpu.pipeline_mode<synchronous>, transform_indices = @transform_2, window_bounds = array<i64: 128, 128>}, {transform_indices = @transform_3, window_bounds = array<i64: 2048, 128>}, {transform_indices = @transform_4, window_bounds = array<i64: 2048, 1>}]} {
    %get3A = arith.constant 0 : index
    %get3A_0 = arith.constant 0 : index
    %get3A_1 = vector.load %arg1[%get3A, %get3A_0] : memref<2048x128xf32, #tpu.memory_space<vmem>>, vector<2048x128xf32>
    %get3A_2 = arith.constant 0 : index
    %get3A_3 = arith.constant 0 : index
    %get3A_4 = vector.load %arg3[%get3A_2, %get3A_3] : memref<128x128xf32, #tpu.memory_space<vmem>>, vector<128x128xf32>
    %get3A_5 = arith.constant 0 : index
    %get3A_6 = arith.constant 0 : index
    %get3A_7 = vector.load %arg2[%get3A_5, %get3A_6] : memref<128x1xf32, #tpu.memory_space<vmem>>, vector<128x1xf32>
    %mul3A = vector.broadcast %get3A_7 : vector<128x1xf32> to vector<128x128xf32>
    %mul3A_8 = arith.mulf %get3A_4, %mul3A : vector<128x128xf32>
    %dot_general3A = arith.constant dense<0.000000e+00> : vector<2048x128xf32>
    %dot_general3A_9 = tpu.matmul %get3A_1, %mul3A_8, %dot_general3A {dimension_numbers = #tpu.dot_dimension_numbers<[1], [0], [0], [1], [0, 0, 1, 1], [], []>, transpose_lhs_hint = false} : vector<2048x128xf32>, vector<128x128xf32>, vector<2048x128xf32> -> vector<2048x128xf32>
    %swap3A = arith.constant 0 : index
    %swap3A_10 = arith.constant 0 : index
    %swap3A_11 = vector.load %arg4[%swap3A, %swap3A_10] : memref<2048x128xf32, #tpu.memory_space<vmem>>, vector<2048x128xf32>
    tpu.vector_store %arg4[%swap3A, %swap3A_10], %dot_general3A_9 {strides = array<i32>} : memref<2048x128xf32, #tpu.memory_space<vmem>>, vector<2048x128xf32>,
    %mul3A_12 = arith.mulf %get3A_1, %get3A_1 : vector<2048x128xf32>
    %reduce_sum3A = arith.constant dense<0.000000e+00> : vector<2048xf32>
    %reduce_sum3A_13 = vector.multi_reduction <add>, %mul3A_12, %reduce_sum3A [1] : vector<2048x128xf32> to vector<2048xf32>
    %broadcast_in_dim3A = vector.shape_cast %reduce_sum3A_13 : vector<2048xf32> to vector<2048x1xf32>
    %swap3A_14 = arith.constant 0 : index
    %swap3A_15 = arith.constant 0 : index
    %swap3A_16 = vector.load %arg5[%swap3A_14, %swap3A_15] : memref<2048x1xf32, #tpu.memory_space<vmem>>, vector<2048x1xf32>
    tpu.vector_store %arg5[%swap3A_14, %swap3A_15], %broadcast_in_dim3A {strides = array<i32>} : memref<2048x1xf32, #tpu.memory_space<vmem>>, vector<2048x1xf32>,
    return
  }
  func.func @transform_0(%arg0: i32) -> (i32, i32) {
    %c0_i32 = arith.constant 0 : i32
    %c0_i32_0 = arith.constant 0 : i32
    return %arg0, %c0_i32 : i32, i32
  }
  func.func @transform_1(%arg0: i32) -> (i32, i32) {
    %c0_i32 = arith.constant 0 : i32
    %c0_i32_0 = arith.constant 0 : i32
    %c0_i32_1 = arith.constant 0 : i32
    return %c0_i32, %c0_i32_0 : i32, i32
  }
  func.func @transform_2(%arg0: i32) -> (i32, i32) {
    %c0_i32 = arith.constant 0 : i32
    %c0_i32_0 = arith.constant 0 : i32
    %c0_i32_1 = arith.constant 0 : i32
    return %c0_i32, %c0_i32_0 : i32, i32
  }
  func.func @transform_3(%arg0: i32) -> (i32, i32) {
    %c0_i32 = arith.constant 0 : i32
    %c0_i32_0 = arith.constant 0 : i32
    return %arg0, %c0_i32 : i32, i32
  }
  func.func @transform_4(%arg0: i32) -> (i32, i32) {
    %c0_i32 = arith.constant 0 : i32
    %c0_i32_0 = arith.constant 0 : i32
    return %arg0, %c0_i32 : i32, i32
  }
}

module attributes {stable_mosaic.version = 14 : i64} {
  func.func @_tc_combine_body(%arg0: i32, %arg1: memref<32x2048xf32, #tpu.memory_space<vmem>>, %arg2: memref<16x2048xi32, #tpu.memory_space<vmem>>, %arg3: memref<16x2048xi32, #tpu.memory_space<vmem>>, %arg4: memref<16x1024xf32, #tpu.memory_space<vmem>>, %arg5: memref<16x1024xf32, #tpu.memory_space<vmem>>, %arg6: memref<2048x128xf32, #tpu.memory_space<vmem>>, %arg7: memref<2048x1xf32, #tpu.memory_space<vmem>>, %arg8: memref<64x1xf32, #tpu.memory_space<vmem>>, %arg9: memref<64x128xf32, #tpu.memory_space<vmem>>, %arg10: memref<1x128xf32, #tpu.memory_space<vmem>>, %arg11: memref<2048x128xf32, #tpu.memory_space<vmem>>) attributes {dimension_semantics = [#tpu.dimension_semantics<arbitrary>], iteration_bounds = array<i64: 8>, scalar_prefetch = 0 : i64, scratch_operands = 0 : i64, tpu.core_type = #tpu.core_type<tc>, window_params = [{transform_indices = @transform_0, window_bounds = array<i64: 32, 2048>}, {transform_indices = @transform_1, window_bounds = array<i64: 16, 2048>}, {transform_indices = @transform_2, window_bounds = array<i64: 16, 2048>}, {pipeline_mode = #tpu.pipeline_mode<synchronous>, transform_indices = @transform_3, window_bounds = array<i64: 16, 1024>}, {pipeline_mode = #tpu.pipeline_mode<synchronous>, transform_indices = @transform_4, window_bounds = array<i64: 16, 1024>}, {transform_indices = @transform_5, window_bounds = array<i64: 2048, 128>}, {transform_indices = @transform_6, window_bounds = array<i64: 2048, 1>}, {pipeline_mode = #tpu.pipeline_mode<synchronous>, transform_indices = @transform_7, window_bounds = array<i64: 64, 1>}, {pipeline_mode = #tpu.pipeline_mode<synchronous>, transform_indices = @transform_8, window_bounds = array<i64: 64, 128>}, {pipeline_mode = #tpu.pipeline_mode<synchronous>, transform_indices = @transform_9, window_bounds = array<i64: 1, 128>}, {transform_indices = @transform_10, window_bounds = array<i64: 2048, 128>}]} {
    %get3A = arith.constant 0 : index
    %get3A_0 = arith.constant 0 : index
    %get3A_1 = vector.load %arg1[%get3A, %get3A_0] : memref<32x2048xf32, #tpu.memory_space<vmem>>, vector<32x2048xf32>
    %get3A_2 = arith.constant 0 : index
    %get3A_3 = arith.constant 0 : index
    %get3A_4 = vector.load %arg4[%get3A_2, %get3A_3] : memref<16x1024xf32, #tpu.memory_space<vmem>>, vector<16x1024xf32>
    %get3A_5 = arith.constant 0 : index
    %get3A_6 = arith.constant 0 : index
    %get3A_7 = vector.load %arg2[%get3A_5, %get3A_6] : memref<16x2048xi32, #tpu.memory_space<vmem>>, vector<16x2048xi32>
    %and3A = arith.constant 127 : i32
    %and3A_8 = vector.broadcast %and3A : i32 to vector<16x2048xi32>
    %and3A_9 = arith.andi %get3A_7, %and3A_8 : vector<16x2048xi32>
    %shift_right_arithmetic3A = arith.constant 7 : i32
    %shift_right_arithmetic3A_10 = vector.broadcast %shift_right_arithmetic3A : i32 to vector<16x2048xi32>
    %shift_right_arithmetic3A_11 = arith.shrsi %get3A_7, %shift_right_arithmetic3A_10 : vector<16x2048xi32>
    %broadcast_in_dim3A = arith.constant 0.000000e+00 : f32
    %broadcast_in_dim3A_12 = vector.broadcast %broadcast_in_dim3A : f32 to vector<16x2048xf32>
    %slice3A = vector.extract_strided_slice %get3A_4 {offsets = [0, 0], sizes = [16, 128], strides = [1, 1]} : vector<16x1024xf32> to vector<16x128xf32>
    %lt3A = arith.constant 0 : i32
    %lt3A_13 = vector.broadcast %lt3A : i32 to vector<16x2048xi32>
    %lt3A_14 = arith.cmpi slt, %and3A_9, %lt3A_13 : vector<16x2048xi32>
    %add3A = arith.constant 128 : i32
    %add3A_15 = vector.broadcast %add3A : i32 to vector<16x2048xi32>
    %add3A_16 = arith.addi %and3A_9, %add3A_15 : vector<16x2048xi32>
    %select_n3A = arith.select %lt3A_14, %add3A_16, %and3A_9 : vector<16x2048xi1>, vector<16x2048xi32>
    %reshape3A = vector.shape_cast %select_n3A : vector<16x2048xi32> to vector<16x2048x1xi32>
    %gather3A = vector.shape_cast %reshape3A : vector<16x2048x1xi32> to vector<16x2048xi32>
    %gather3A_17 = tpu.dynamic_gather %slice3A[%gather3A] in [1] : vector<16x128xf32>, vector<16x2048xi32> -> vector<16x2048xf32>
    %eq3A = arith.constant 0 : i32
    %eq3A_18 = vector.broadcast %eq3A : i32 to vector<16x2048xi32>
    %eq3A_19 = arith.cmpi eq, %shift_right_arithmetic3A_11, %eq3A_18 : vector<16x2048xi32>
    %select_n3A_20 = arith.select %eq3A_19, %gather3A_17, %broadcast_in_dim3A_12 : vector<16x2048xi1>, vector<16x2048xf32>
    %slice3A_21 = vector.extract_strided_slice %get3A_4 {offsets = [0, 128], sizes = [16, 128], strides = [1, 1]} : vector<16x1024xf32> to vector<16x128xf32>
    %lt3A_22 = arith.constant 0 : i32
    %lt3A_23 = vector.broadcast %lt3A_22 : i32 to vector<16x2048xi32>
    %lt3A_24 = arith.cmpi slt, %and3A_9, %lt3A_23 : vector<16x2048xi32>
    %add3A_25 = arith.constant 128 : i32
    %add3A_26 = vector.broadcast %add3A_25 : i32 to vector<16x2048xi32>
    %add3A_27 = arith.addi %and3A_9, %add3A_26 : vector<16x2048xi32>
    %select_n3A_28 = arith.select %lt3A_24, %add3A_27, %and3A_9 : vector<16x2048xi1>, vector<16x2048xi32>
    %reshape3A_29 = vector.shape_cast %select_n3A_28 : vector<16x2048xi32> to vector<16x2048x1xi32>
    %gather3A_30 = vector.shape_cast %reshape3A_29 : vector<16x2048x1xi32> to vector<16x2048xi32>
    %gather3A_31 = tpu.dynamic_gather %slice3A_21[%gather3A_30] in [1] : vector<16x128xf32>, vector<16x2048xi32> -> vector<16x2048xf32>
    %eq3A_32 = arith.constant 1 : i32
    %eq3A_33 = vector.broadcast %eq3A_32 : i32 to vector<16x2048xi32>
    %eq3A_34 = arith.cmpi eq, %shift_right_arithmetic3A_11, %eq3A_33 : vector<16x2048xi32>
    %select_n3A_35 = arith.select %eq3A_34, %gather3A_31, %select_n3A_20 : vector<16x2048xi1>, vector<16x2048xf32>
    %slice3A_36 = vector.extract_strided_slice %get3A_4 {offsets = [0, 256], sizes = [16, 128], strides = [1, 1]} : vector<16x1024xf32> to vector<16x128xf32>
    %lt3A_37 = arith.constant 0 : i32
    %lt3A_38 = vector.broadcast %lt3A_37 : i32 to vector<16x2048xi32>
    %lt3A_39 = arith.cmpi slt, %and3A_9, %lt3A_38 : vector<16x2048xi32>
    %add3A_40 = arith.constant 128 : i32
    %add3A_41 = vector.broadcast %add3A_40 : i32 to vector<16x2048xi32>
    %add3A_42 = arith.addi %and3A_9, %add3A_41 : vector<16x2048xi32>
    %select_n3A_43 = arith.select %lt3A_39, %add3A_42, %and3A_9 : vector<16x2048xi1>, vector<16x2048xi32>
    %reshape3A_44 = vector.shape_cast %select_n3A_43 : vector<16x2048xi32> to vector<16x2048x1xi32>
    %gather3A_45 = vector.shape_cast %reshape3A_44 : vector<16x2048x1xi32> to vector<16x2048xi32>
    %gather3A_46 = tpu.dynamic_gather %slice3A_36[%gather3A_45] in [1] : vector<16x128xf32>, vector<16x2048xi32> -> vector<16x2048xf32>
    %eq3A_47 = arith.constant 2 : i32
    %eq3A_48 = vector.broadcast %eq3A_47 : i32 to vector<16x2048xi32>
    %eq3A_49 = arith.cmpi eq, %shift_right_arithmetic3A_11, %eq3A_48 : vector<16x2048xi32>
    %select_n3A_50 = arith.select %eq3A_49, %gather3A_46, %select_n3A_35 : vector<16x2048xi1>, vector<16x2048xf32>
    %slice3A_51 = vector.extract_strided_slice %get3A_4 {offsets = [0, 384], sizes = [16, 128], strides = [1, 1]} : vector<16x1024xf32> to vector<16x128xf32>
    %lt3A_52 = arith.constant 0 : i32
    %lt3A_53 = vector.broadcast %lt3A_52 : i32 to vector<16x2048xi32>
    %lt3A_54 = arith.cmpi slt, %and3A_9, %lt3A_53 : vector<16x2048xi32>
    %add3A_55 = arith.constant 128 : i32
    %add3A_56 = vector.broadcast %add3A_55 : i32 to vector<16x2048xi32>
    %add3A_57 = arith.addi %and3A_9, %add3A_56 : vector<16x2048xi32>
    %select_n3A_58 = arith.select %lt3A_54, %add3A_57, %and3A_9 : vector<16x2048xi1>, vector<16x2048xi32>
    %reshape3A_59 = vector.shape_cast %select_n3A_58 : vector<16x2048xi32> to vector<16x2048x1xi32>
    %gather3A_60 = vector.shape_cast %reshape3A_59 : vector<16x2048x1xi32> to vector<16x2048xi32>
    %gather3A_61 = tpu.dynamic_gather %slice3A_51[%gather3A_60] in [1] : vector<16x128xf32>, vector<16x2048xi32> -> vector<16x2048xf32>
    %eq3A_62 = arith.constant 3 : i32
    %eq3A_63 = vector.broadcast %eq3A_62 : i32 to vector<16x2048xi32>
    %eq3A_64 = arith.cmpi eq, %shift_right_arithmetic3A_11, %eq3A_63 : vector<16x2048xi32>
    %select_n3A_65 = arith.select %eq3A_64, %gather3A_61, %select_n3A_50 : vector<16x2048xi1>, vector<16x2048xf32>
    %slice3A_66 = vector.extract_strided_slice %get3A_4 {offsets = [0, 512], sizes = [16, 128], strides = [1, 1]} : vector<16x1024xf32> to vector<16x128xf32>
    %lt3A_67 = arith.constant 0 : i32
    %lt3A_68 = vector.broadcast %lt3A_67 : i32 to vector<16x2048xi32>
    %lt3A_69 = arith.cmpi slt, %and3A_9, %lt3A_68 : vector<16x2048xi32>
    %add3A_70 = arith.constant 128 : i32
    %add3A_71 = vector.broadcast %add3A_70 : i32 to vector<16x2048xi32>
    %add3A_72 = arith.addi %and3A_9, %add3A_71 : vector<16x2048xi32>
    %select_n3A_73 = arith.select %lt3A_69, %add3A_72, %and3A_9 : vector<16x2048xi1>, vector<16x2048xi32>
    %reshape3A_74 = vector.shape_cast %select_n3A_73 : vector<16x2048xi32> to vector<16x2048x1xi32>
    %gather3A_75 = vector.shape_cast %reshape3A_74 : vector<16x2048x1xi32> to vector<16x2048xi32>
    %gather3A_76 = tpu.dynamic_gather %slice3A_66[%gather3A_75] in [1] : vector<16x128xf32>, vector<16x2048xi32> -> vector<16x2048xf32>
    %eq3A_77 = arith.constant 4 : i32
    %eq3A_78 = vector.broadcast %eq3A_77 : i32 to vector<16x2048xi32>
    %eq3A_79 = arith.cmpi eq, %shift_right_arithmetic3A_11, %eq3A_78 : vector<16x2048xi32>
    %select_n3A_80 = arith.select %eq3A_79, %gather3A_76, %select_n3A_65 : vector<16x2048xi1>, vector<16x2048xf32>
    %slice3A_81 = vector.extract_strided_slice %get3A_4 {offsets = [0, 640], sizes = [16, 128], strides = [1, 1]} : vector<16x1024xf32> to vector<16x128xf32>
    %lt3A_82 = arith.constant 0 : i32
    %lt3A_83 = vector.broadcast %lt3A_82 : i32 to vector<16x2048xi32>
    %lt3A_84 = arith.cmpi slt, %and3A_9, %lt3A_83 : vector<16x2048xi32>
    %add3A_85 = arith.constant 128 : i32
    %add3A_86 = vector.broadcast %add3A_85 : i32 to vector<16x2048xi32>
    %add3A_87 = arith.addi %and3A_9, %add3A_86 : vector<16x2048xi32>
    %select_n3A_88 = arith.select %lt3A_84, %add3A_87, %and3A_9 : vector<16x2048xi1>, vector<16x2048xi32>
    %reshape3A_89 = vector.shape_cast %select_n3A_88 : vector<16x2048xi32> to vector<16x2048x1xi32>
    %gather3A_90 = vector.shape_cast %reshape3A_89 : vector<16x2048x1xi32> to vector<16x2048xi32>
    %gather3A_91 = tpu.dynamic_gather %slice3A_81[%gather3A_90] in [1] : vector<16x128xf32>, vector<16x2048xi32> -> vector<16x2048xf32>
    %eq3A_92 = arith.constant 5 : i32
    %eq3A_93 = vector.broadcast %eq3A_92 : i32 to vector<16x2048xi32>
    %eq3A_94 = arith.cmpi eq, %shift_right_arithmetic3A_11, %eq3A_93 : vector<16x2048xi32>
    %select_n3A_95 = arith.select %eq3A_94, %gather3A_91, %select_n3A_80 : vector<16x2048xi1>, vector<16x2048xf32>
    %slice3A_96 = vector.extract_strided_slice %get3A_4 {offsets = [0, 768], sizes = [16, 128], strides = [1, 1]} : vector<16x1024xf32> to vector<16x128xf32>
    %lt3A_97 = arith.constant 0 : i32
    %lt3A_98 = vector.broadcast %lt3A_97 : i32 to vector<16x2048xi32>
    %lt3A_99 = arith.cmpi slt, %and3A_9, %lt3A_98 : vector<16x2048xi32>
    %add3A_100 = arith.constant 128 : i32
    %add3A_101 = vector.broadcast %add3A_100 : i32 to vector<16x2048xi32>
    %add3A_102 = arith.addi %and3A_9, %add3A_101 : vector<16x2048xi32>
    %select_n3A_103 = arith.select %lt3A_99, %add3A_102, %and3A_9 : vector<16x2048xi1>, vector<16x2048xi32>
    %reshape3A_104 = vector.shape_cast %select_n3A_103 : vector<16x2048xi32> to vector<16x2048x1xi32>
    %gather3A_105 = vector.shape_cast %reshape3A_104 : vector<16x2048x1xi32> to vector<16x2048xi32>
    %gather3A_106 = tpu.dynamic_gather %slice3A_96[%gather3A_105] in [1] : vector<16x128xf32>, vector<16x2048xi32> -> vector<16x2048xf32>
    %eq3A_107 = arith.constant 6 : i32
    %eq3A_108 = vector.broadcast %eq3A_107 : i32 to vector<16x2048xi32>
    %eq3A_109 = arith.cmpi eq, %shift_right_arithmetic3A_11, %eq3A_108 : vector<16x2048xi32>
    %select_n3A_110 = arith.select %eq3A_109, %gather3A_106, %select_n3A_95 : vector<16x2048xi1>, vector<16x2048xf32>
    %slice3A_111 = vector.extract_strided_slice %get3A_4 {offsets = [0, 896], sizes = [16, 128], strides = [1, 1]} : vector<16x1024xf32> to vector<16x128xf32>
    %lt3A_112 = arith.constant 0 : i32
    %lt3A_113 = vector.broadcast %lt3A_112 : i32 to vector<16x2048xi32>
    %lt3A_114 = arith.cmpi slt, %and3A_9, %lt3A_113 : vector<16x2048xi32>
    %add3A_115 = arith.constant 128 : i32
    %add3A_116 = vector.broadcast %add3A_115 : i32 to vector<16x2048xi32>
    %add3A_117 = arith.addi %and3A_9, %add3A_116 : vector<16x2048xi32>
    %select_n3A_118 = arith.select %lt3A_114, %add3A_117, %and3A_9 : vector<16x2048xi1>, vector<16x2048xi32>
    %reshape3A_119 = vector.shape_cast %select_n3A_118 : vector<16x2048xi32> to vector<16x2048x1xi32>
    %gather3A_120 = vector.shape_cast %reshape3A_119 : vector<16x2048x1xi32> to vector<16x2048xi32>
    %gather3A_121 = tpu.dynamic_gather %slice3A_111[%gather3A_120] in [1] : vector<16x128xf32>, vector<16x2048xi32> -> vector<16x2048xf32>
    %eq3A_122 = arith.constant 7 : i32
    %eq3A_123 = vector.broadcast %eq3A_122 : i32 to vector<16x2048xi32>
    %eq3A_124 = arith.cmpi eq, %shift_right_arithmetic3A_11, %eq3A_123 : vector<16x2048xi32>
    %select_n3A_125 = arith.select %eq3A_124, %gather3A_121, %select_n3A_110 : vector<16x2048xi1>, vector<16x2048xf32>
    %get3A_126 = arith.constant 0 : index
    %get3A_127 = arith.constant 0 : index
    %get3A_128 = vector.load %arg5[%get3A_126, %get3A_127] : memref<16x1024xf32, #tpu.memory_space<vmem>>, vector<16x1024xf32>
    %get3A_129 = arith.constant 0 : index
    %get3A_130 = arith.constant 0 : index
    %get3A_131 = vector.load %arg3[%get3A_129, %get3A_130] : memref<16x2048xi32, #tpu.memory_space<vmem>>, vector<16x2048xi32>
    %and3A_132 = arith.constant 127 : i32
    %and3A_133 = vector.broadcast %and3A_132 : i32 to vector<16x2048xi32>
    %and3A_134 = arith.andi %get3A_131, %and3A_133 : vector<16x2048xi32>
    %shift_right_arithmetic3A_135 = arith.constant 7 : i32
    %shift_right_arithmetic3A_136 = vector.broadcast %shift_right_arithmetic3A_135 : i32 to vector<16x2048xi32>
    %shift_right_arithmetic3A_137 = arith.shrsi %get3A_131, %shift_right_arithmetic3A_136 : vector<16x2048xi32>
    %broadcast_in_dim3A_138 = arith.constant 0.000000e+00 : f32
    %broadcast_in_dim3A_139 = vector.broadcast %broadcast_in_dim3A_138 : f32 to vector<16x2048xf32>
    %slice3A_140 = vector.extract_strided_slice %get3A_128 {offsets = [0, 0], sizes = [16, 128], strides = [1, 1]} : vector<16x1024xf32> to vector<16x128xf32>
    %lt3A_141 = arith.constant 0 : i32
    %lt3A_142 = vector.broadcast %lt3A_141 : i32 to vector<16x2048xi32>
    %lt3A_143 = arith.cmpi slt, %and3A_134, %lt3A_142 : vector<16x2048xi32>
    %add3A_144 = arith.constant 128 : i32
    %add3A_145 = vector.broadcast %add3A_144 : i32 to vector<16x2048xi32>
    %add3A_146 = arith.addi %and3A_134, %add3A_145 : vector<16x2048xi32>
    %select_n3A_147 = arith.select %lt3A_143, %add3A_146, %and3A_134 : vector<16x2048xi1>, vector<16x2048xi32>
    %reshape3A_148 = vector.shape_cast %select_n3A_147 : vector<16x2048xi32> to vector<16x2048x1xi32>
    %gather3A_149 = vector.shape_cast %reshape3A_148 : vector<16x2048x1xi32> to vector<16x2048xi32>
    %gather3A_150 = tpu.dynamic_gather %slice3A_140[%gather3A_149] in [1] : vector<16x128xf32>, vector<16x2048xi32> -> vector<16x2048xf32>
    %eq3A_151 = arith.constant 0 : i32
    %eq3A_152 = vector.broadcast %eq3A_151 : i32 to vector<16x2048xi32>
    %eq3A_153 = arith.cmpi eq, %shift_right_arithmetic3A_137, %eq3A_152 : vector<16x2048xi32>
    %select_n3A_154 = arith.select %eq3A_153, %gather3A_150, %broadcast_in_dim3A_139 : vector<16x2048xi1>, vector<16x2048xf32>
    %slice3A_155 = vector.extract_strided_slice %get3A_128 {offsets = [0, 128], sizes = [16, 128], strides = [1, 1]} : vector<16x1024xf32> to vector<16x128xf32>
    %lt3A_156 = arith.constant 0 : i32
    %lt3A_157 = vector.broadcast %lt3A_156 : i32 to vector<16x2048xi32>
    %lt3A_158 = arith.cmpi slt, %and3A_134, %lt3A_157 : vector<16x2048xi32>
    %add3A_159 = arith.constant 128 : i32
    %add3A_160 = vector.broadcast %add3A_159 : i32 to vector<16x2048xi32>
    %add3A_161 = arith.addi %and3A_134, %add3A_160 : vector<16x2048xi32>
    %select_n3A_162 = arith.select %lt3A_158, %add3A_161, %and3A_134 : vector<16x2048xi1>, vector<16x2048xi32>
    %reshape3A_163 = vector.shape_cast %select_n3A_162 : vector<16x2048xi32> to vector<16x2048x1xi32>
    %gather3A_164 = vector.shape_cast %reshape3A_163 : vector<16x2048x1xi32> to vector<16x2048xi32>
    %gather3A_165 = tpu.dynamic_gather %slice3A_155[%gather3A_164] in [1] : vector<16x128xf32>, vector<16x2048xi32> -> vector<16x2048xf32>
    %eq3A_166 = arith.constant 1 : i32
    %eq3A_167 = vector.broadcast %eq3A_166 : i32 to vector<16x2048xi32>
    %eq3A_168 = arith.cmpi eq, %shift_right_arithmetic3A_137, %eq3A_167 : vector<16x2048xi32>
    %select_n3A_169 = arith.select %eq3A_168, %gather3A_165, %select_n3A_154 : vector<16x2048xi1>, vector<16x2048xf32>
    %slice3A_170 = vector.extract_strided_slice %get3A_128 {offsets = [0, 256], sizes = [16, 128], strides = [1, 1]} : vector<16x1024xf32> to vector<16x128xf32>
    %lt3A_171 = arith.constant 0 : i32
    %lt3A_172 = vector.broadcast %lt3A_171 : i32 to vector<16x2048xi32>
    %lt3A_173 = arith.cmpi slt, %and3A_134, %lt3A_172 : vector<16x2048xi32>
    %add3A_174 = arith.constant 128 : i32
    %add3A_175 = vector.broadcast %add3A_174 : i32 to vector<16x2048xi32>
    %add3A_176 = arith.addi %and3A_134, %add3A_175 : vector<16x2048xi32>
    %select_n3A_177 = arith.select %lt3A_173, %add3A_176, %and3A_134 : vector<16x2048xi1>, vector<16x2048xi32>
    %reshape3A_178 = vector.shape_cast %select_n3A_177 : vector<16x2048xi32> to vector<16x2048x1xi32>
    %gather3A_179 = vector.shape_cast %reshape3A_178 : vector<16x2048x1xi32> to vector<16x2048xi32>
    %gather3A_180 = tpu.dynamic_gather %slice3A_170[%gather3A_179] in [1] : vector<16x128xf32>, vector<16x2048xi32> -> vector<16x2048xf32>
    %eq3A_181 = arith.constant 2 : i32
    %eq3A_182 = vector.broadcast %eq3A_181 : i32 to vector<16x2048xi32>
    %eq3A_183 = arith.cmpi eq, %shift_right_arithmetic3A_137, %eq3A_182 : vector<16x2048xi32>
    %select_n3A_184 = arith.select %eq3A_183, %gather3A_180, %select_n3A_169 : vector<16x2048xi1>, vector<16x2048xf32>
    %slice3A_185 = vector.extract_strided_slice %get3A_128 {offsets = [0, 384], sizes = [16, 128], strides = [1, 1]} : vector<16x1024xf32> to vector<16x128xf32>
    %lt3A_186 = arith.constant 0 : i32
    %lt3A_187 = vector.broadcast %lt3A_186 : i32 to vector<16x2048xi32>
    %lt3A_188 = arith.cmpi slt, %and3A_134, %lt3A_187 : vector<16x2048xi32>
    %add3A_189 = arith.constant 128 : i32
    %add3A_190 = vector.broadcast %add3A_189 : i32 to vector<16x2048xi32>
    %add3A_191 = arith.addi %and3A_134, %add3A_190 : vector<16x2048xi32>
    %select_n3A_192 = arith.select %lt3A_188, %add3A_191, %and3A_134 : vector<16x2048xi1>, vector<16x2048xi32>
    %reshape3A_193 = vector.shape_cast %select_n3A_192 : vector<16x2048xi32> to vector<16x2048x1xi32>
    %gather3A_194 = vector.shape_cast %reshape3A_193 : vector<16x2048x1xi32> to vector<16x2048xi32>
    %gather3A_195 = tpu.dynamic_gather %slice3A_185[%gather3A_194] in [1] : vector<16x128xf32>, vector<16x2048xi32> -> vector<16x2048xf32>
    %eq3A_196 = arith.constant 3 : i32
    %eq3A_197 = vector.broadcast %eq3A_196 : i32 to vector<16x2048xi32>
    %eq3A_198 = arith.cmpi eq, %shift_right_arithmetic3A_137, %eq3A_197 : vector<16x2048xi32>
    %select_n3A_199 = arith.select %eq3A_198, %gather3A_195, %select_n3A_184 : vector<16x2048xi1>, vector<16x2048xf32>
    %slice3A_200 = vector.extract_strided_slice %get3A_128 {offsets = [0, 512], sizes = [16, 128], strides = [1, 1]} : vector<16x1024xf32> to vector<16x128xf32>
    %lt3A_201 = arith.constant 0 : i32
    %lt3A_202 = vector.broadcast %lt3A_201 : i32 to vector<16x2048xi32>
    %lt3A_203 = arith.cmpi slt, %and3A_134, %lt3A_202 : vector<16x2048xi32>
    %add3A_204 = arith.constant 128 : i32
    %add3A_205 = vector.broadcast %add3A_204 : i32 to vector<16x2048xi32>
    %add3A_206 = arith.addi %and3A_134, %add3A_205 : vector<16x2048xi32>
    %select_n3A_207 = arith.select %lt3A_203, %add3A_206, %and3A_134 : vector<16x2048xi1>, vector<16x2048xi32>
    %reshape3A_208 = vector.shape_cast %select_n3A_207 : vector<16x2048xi32> to vector<16x2048x1xi32>
    %gather3A_209 = vector.shape_cast %reshape3A_208 : vector<16x2048x1xi32> to vector<16x2048xi32>
    %gather3A_210 = tpu.dynamic_gather %slice3A_200[%gather3A_209] in [1] : vector<16x128xf32>, vector<16x2048xi32> -> vector<16x2048xf32>
    %eq3A_211 = arith.constant 4 : i32
    %eq3A_212 = vector.broadcast %eq3A_211 : i32 to vector<16x2048xi32>
    %eq3A_213 = arith.cmpi eq, %shift_right_arithmetic3A_137, %eq3A_212 : vector<16x2048xi32>
    %select_n3A_214 = arith.select %eq3A_213, %gather3A_210, %select_n3A_199 : vector<16x2048xi1>, vector<16x2048xf32>
    %slice3A_215 = vector.extract_strided_slice %get3A_128 {offsets = [0, 640], sizes = [16, 128], strides = [1, 1]} : vector<16x1024xf32> to vector<16x128xf32>
    %lt3A_216 = arith.constant 0 : i32
    %lt3A_217 = vector.broadcast %lt3A_216 : i32 to vector<16x2048xi32>
    %lt3A_218 = arith.cmpi slt, %and3A_134, %lt3A_217 : vector<16x2048xi32>
    %add3A_219 = arith.constant 128 : i32
    %add3A_220 = vector.broadcast %add3A_219 : i32 to vector<16x2048xi32>
    %add3A_221 = arith.addi %and3A_134, %add3A_220 : vector<16x2048xi32>
    %select_n3A_222 = arith.select %lt3A_218, %add3A_221, %and3A_134 : vector<16x2048xi1>, vector<16x2048xi32>
    %reshape3A_223 = vector.shape_cast %select_n3A_222 : vector<16x2048xi32> to vector<16x2048x1xi32>
    %gather3A_224 = vector.shape_cast %reshape3A_223 : vector<16x2048x1xi32> to vector<16x2048xi32>
    %gather3A_225 = tpu.dynamic_gather %slice3A_215[%gather3A_224] in [1] : vector<16x128xf32>, vector<16x2048xi32> -> vector<16x2048xf32>
    %eq3A_226 = arith.constant 5 : i32
    %eq3A_227 = vector.broadcast %eq3A_226 : i32 to vector<16x2048xi32>
    %eq3A_228 = arith.cmpi eq, %shift_right_arithmetic3A_137, %eq3A_227 : vector<16x2048xi32>
    %select_n3A_229 = arith.select %eq3A_228, %gather3A_225, %select_n3A_214 : vector<16x2048xi1>, vector<16x2048xf32>
    %slice3A_230 = vector.extract_strided_slice %get3A_128 {offsets = [0, 768], sizes = [16, 128], strides = [1, 1]} : vector<16x1024xf32> to vector<16x128xf32>
    %lt3A_231 = arith.constant 0 : i32
    %lt3A_232 = vector.broadcast %lt3A_231 : i32 to vector<16x2048xi32>
    %lt3A_233 = arith.cmpi slt, %and3A_134, %lt3A_232 : vector<16x2048xi32>
    %add3A_234 = arith.constant 128 : i32
    %add3A_235 = vector.broadcast %add3A_234 : i32 to vector<16x2048xi32>
    %add3A_236 = arith.addi %and3A_134, %add3A_235 : vector<16x2048xi32>
    %select_n3A_237 = arith.select %lt3A_233, %add3A_236, %and3A_134 : vector<16x2048xi1>, vector<16x2048xi32>
    %reshape3A_238 = vector.shape_cast %select_n3A_237 : vector<16x2048xi32> to vector<16x2048x1xi32>
    %gather3A_239 = vector.shape_cast %reshape3A_238 : vector<16x2048x1xi32> to vector<16x2048xi32>
    %gather3A_240 = tpu.dynamic_gather %slice3A_230[%gather3A_239] in [1] : vector<16x128xf32>, vector<16x2048xi32> -> vector<16x2048xf32>
    %eq3A_241 = arith.constant 6 : i32
    %eq3A_242 = vector.broadcast %eq3A_241 : i32 to vector<16x2048xi32>
    %eq3A_243 = arith.cmpi eq, %shift_right_arithmetic3A_137, %eq3A_242 : vector<16x2048xi32>
    %select_n3A_244 = arith.select %eq3A_243, %gather3A_240, %select_n3A_229 : vector<16x2048xi1>, vector<16x2048xf32>
    %slice3A_245 = vector.extract_strided_slice %get3A_128 {offsets = [0, 896], sizes = [16, 128], strides = [1, 1]} : vector<16x1024xf32> to vector<16x128xf32>
    %lt3A_246 = arith.constant 0 : i32
    %lt3A_247 = vector.broadcast %lt3A_246 : i32 to vector<16x2048xi32>
    %lt3A_248 = arith.cmpi slt, %and3A_134, %lt3A_247 : vector<16x2048xi32>
    %add3A_249 = arith.constant 128 : i32
    %add3A_250 = vector.broadcast %add3A_249 : i32 to vector<16x2048xi32>
    %add3A_251 = arith.addi %and3A_134, %add3A_250 : vector<16x2048xi32>
    %select_n3A_252 = arith.select %lt3A_248, %add3A_251, %and3A_134 : vector<16x2048xi1>, vector<16x2048xi32>
    %reshape3A_253 = vector.shape_cast %select_n3A_252 : vector<16x2048xi32> to vector<16x2048x1xi32>
    %gather3A_254 = vector.shape_cast %reshape3A_253 : vector<16x2048x1xi32> to vector<16x2048xi32>
    %gather3A_255 = tpu.dynamic_gather %slice3A_245[%gather3A_254] in [1] : vector<16x128xf32>, vector<16x2048xi32> -> vector<16x2048xf32>
    %eq3A_256 = arith.constant 7 : i32
    %eq3A_257 = vector.broadcast %eq3A_256 : i32 to vector<16x2048xi32>
    %eq3A_258 = arith.cmpi eq, %shift_right_arithmetic3A_137, %eq3A_257 : vector<16x2048xi32>
    %select_n3A_259 = arith.select %eq3A_258, %gather3A_255, %select_n3A_244 : vector<16x2048xi1>, vector<16x2048xf32>
    %get3A_260 = arith.constant 0 : index
    %get3A_261 = arith.constant 0 : index
    %get3A_262 = vector.load %arg6[%get3A_260, %get3A_261] : memref<2048x128xf32, #tpu.memory_space<vmem>>, vector<2048x128xf32>
    %broadcast_in_dim3A_263 = arith.constant 1.000000e+00 : f32
    %broadcast_in_dim3A_264 = vector.broadcast %broadcast_in_dim3A_263 : f32 to vector<32x1xf32>
    %broadcast_in_dim3A_265 = arith.constant 1.000000e+00 : f32
    %broadcast_in_dim3A_266 = vector.broadcast %broadcast_in_dim3A_265 : f32 to vector<16x1xf32>
    %mul3A = arith.mulf %get3A_1, %get3A_1 : vector<32x2048xf32>
    %dot_general3A = arith.constant dense<0.000000e+00> : vector<2048x1xf32>
    %dot_general3A_267 = tpu.matmul %mul3A, %broadcast_in_dim3A_264, %dot_general3A {dimension_numbers = #tpu.dot_dimension_numbers<[0], [0], [1], [1], [0, 1, 1, 1], [], []>, transpose_lhs_hint = false} : vector<32x2048xf32>, vector<32x1xf32>, vector<2048x1xf32> -> vector<2048x1xf32>
    %mul3A_268 = arith.mulf %select_n3A_125, %select_n3A_125 : vector<16x2048xf32>
    %dot_general3A_269 = arith.constant dense<0.000000e+00> : vector<2048x1xf32>
    %dot_general3A_270 = tpu.matmul %mul3A_268, %broadcast_in_dim3A_266, %dot_general3A_269 {dimension_numbers = #tpu.dot_dimension_numbers<[0], [0], [1], [1], [0, 1, 1, 1], [], []>, transpose_lhs_hint = false} : vector<16x2048xf32>, vector<16x1xf32>, vector<2048x1xf32> -> vector<2048x1xf32>
    %add3A_271 = arith.addf %dot_general3A_267, %dot_general3A_270 : vector<2048x1xf32>
    %mul3A_272 = arith.mulf %select_n3A_259, %select_n3A_259 : vector<16x2048xf32>
    %dot_general3A_273 = arith.constant dense<0.000000e+00> : vector<2048x1xf32>
    %dot_general3A_274 = tpu.matmul %mul3A_272, %broadcast_in_dim3A_266, %dot_general3A_273 {dimension_numbers = #tpu.dot_dimension_numbers<[0], [0], [1], [1], [0, 1, 1, 1], [], []>, transpose_lhs_hint = false} : vector<16x2048xf32>, vector<16x1xf32>, vector<2048x1xf32> -> vector<2048x1xf32>
    %add3A_275 = arith.addf %add3A_271, %dot_general3A_274 : vector<2048x1xf32>
    %get3A_276 = arith.constant 0 : index
    %get3A_277 = arith.constant 0 : index
    %get3A_278 = vector.load %arg7[%get3A_276, %get3A_277] : memref<2048x1xf32, #tpu.memory_space<vmem>>, vector<2048x1xf32>
    %add3A_279 = arith.addf %add3A_275, %get3A_278 : vector<2048x1xf32>
    %mul3A_280 = arith.constant 0.00520833349 : f32
    %mul3A_281 = vector.broadcast %mul3A_280 : f32 to vector<2048x1xf32>
    %mul3A_282 = arith.mulf %add3A_279, %mul3A_281 : vector<2048x1xf32>
    %add3A_283 = arith.constant 1.1920929E-7 : f32
    %add3A_284 = vector.broadcast %add3A_283 : f32 to vector<2048x1xf32>
    %add3A_285 = arith.addf %mul3A_282, %add3A_284 : vector<2048x1xf32>
    %rsqrt3A = math.rsqrt %add3A_285 : vector<2048x1xf32>
    %get3A_286 = arith.constant 0 : index
    %get3A_287 = arith.constant 0 : index
    %get3A_288 = vector.load %arg9[%get3A_286, %get3A_287] : memref<64x128xf32, #tpu.memory_space<vmem>>, vector<64x128xf32>
    %get3A_289 = arith.constant 0 : index
    %get3A_290 = arith.constant 0 : index
    %get3A_291 = vector.load %arg8[%get3A_289, %get3A_290] : memref<64x1xf32, #tpu.memory_space<vmem>>, vector<64x1xf32>
    %mul3A_292 = vector.broadcast %get3A_291 : vector<64x1xf32> to vector<64x128xf32>
    %mul3A_293 = arith.mulf %get3A_288, %mul3A_292 : vector<64x128xf32>
    %slice3A_294 = vector.extract_strided_slice %mul3A_293 {offsets = [0, 0], sizes = [32, 128], strides = [1, 1]} : vector<64x128xf32> to vector<32x128xf32>
    %dot_general3A_295 = arith.constant dense<0.000000e+00> : vector<2048x128xf32>
    %dot_general3A_296 = tpu.matmul %get3A_1, %slice3A_294, %dot_general3A_295 {dimension_numbers = #tpu.dot_dimension_numbers<[0], [0], [1], [1], [0, 1, 1, 1], [], []>, transpose_lhs_hint = false} : vector<32x2048xf32>, vector<32x128xf32>, vector<2048x128xf32> -> vector<2048x128xf32>
    %slice3A_297 = vector.extract_strided_slice %mul3A_293 {offsets = [32, 0], sizes = [16, 128], strides = [1, 1]} : vector<64x128xf32> to vector<16x128xf32>
    %dot_general3A_298 = arith.constant dense<0.000000e+00> : vector<2048x128xf32>
    %dot_general3A_299 = tpu.matmul %select_n3A_125, %slice3A_297, %dot_general3A_298 {dimension_numbers = #tpu.dot_dimension_numbers<[0], [0], [1], [1], [0, 1, 1, 1], [], []>, transpose_lhs_hint = false} : vector<16x2048xf32>, vector<16x128xf32>, vector<2048x128xf32> -> vector<2048x128xf32>
    %add3A_300 = arith.addf %dot_general3A_296, %dot_general3A_299 : vector<2048x128xf32>
    %slice3A_301 = vector.extract_strided_slice %mul3A_293 {offsets = [48, 0], sizes = [16, 128], strides = [1, 1]} : vector<64x128xf32> to vector<16x128xf32>
    %dot_general3A_302 = arith.constant dense<0.000000e+00> : vector<2048x128xf32>
    %dot_general3A_303 = tpu.matmul %select_n3A_259, %slice3A_301, %dot_general3A_302 {dimension_numbers = #tpu.dot_dimension_numbers<[0], [0], [1], [1], [0, 1, 1, 1], [], []>, transpose_lhs_hint = false} : vector<16x2048xf32>, vector<16x128xf32>, vector<2048x128xf32> -> vector<2048x128xf32>
    %add3A_304 = arith.addf %add3A_300, %dot_general3A_303 : vector<2048x128xf32>
    %add3A_305 = arith.addf %add3A_304, %get3A_262 : vector<2048x128xf32>
    %mul3A_306 = vector.broadcast %rsqrt3A : vector<2048x1xf32> to vector<2048x128xf32>
    %mul3A_307 = arith.mulf %add3A_305, %mul3A_306 : vector<2048x128xf32>
    %get3A_308 = arith.constant 0 : index
    %get3A_309 = arith.constant 0 : index
    %get3A_310 = vector.load %arg10[%get3A_308, %get3A_309] : memref<1x128xf32, #tpu.memory_space<vmem>>, vector<1x128xf32>
    %add3A_311 = vector.broadcast %get3A_310 : vector<1x128xf32> to vector<2048x128xf32>
    %add3A_312 = arith.addf %mul3A_307, %add3A_311 : vector<2048x128xf32>
    %swap3A = arith.constant 0 : index
    %swap3A_313 = arith.constant 0 : index
    %swap3A_314 = vector.load %arg11[%swap3A, %swap3A_313] : memref<2048x128xf32, #tpu.memory_space<vmem>>, vector<2048x128xf32>
    tpu.vector_store %arg11[%swap3A, %swap3A_313], %add3A_312 {strides = array<i32>} : memref<2048x128xf32, #tpu.memory_space<vmem>>, vector<2048x128xf32>,
    return
  }
  func.func @transform_0(%arg0: i32) -> (i32, i32) {
    %c0_i32 = arith.constant 0 : i32
    %c0_i32_0 = arith.constant 0 : i32
    return %c0_i32, %arg0 : i32, i32
  }
  func.func @transform_1(%arg0: i32) -> (i32, i32) {
    %c0_i32 = arith.constant 0 : i32
    %c0_i32_0 = arith.constant 0 : i32
    return %c0_i32, %arg0 : i32, i32
  }
  func.func @transform_2(%arg0: i32) -> (i32, i32) {
    %c0_i32 = arith.constant 0 : i32
    %c0_i32_0 = arith.constant 0 : i32
    return %c0_i32, %arg0 : i32, i32
  }
  func.func @transform_3(%arg0: i32) -> (i32, i32) {
    %c0_i32 = arith.constant 0 : i32
    %c0_i32_0 = arith.constant 0 : i32
    %c0_i32_1 = arith.constant 0 : i32
    return %c0_i32, %c0_i32_0 : i32, i32
  }
  func.func @transform_4(%arg0: i32) -> (i32, i32) {
    %c0_i32 = arith.constant 0 : i32
    %c0_i32_0 = arith.constant 0 : i32
    %c0_i32_1 = arith.constant 0 : i32
    return %c0_i32, %c0_i32_0 : i32, i32
  }
  func.func @transform_5(%arg0: i32) -> (i32, i32) {
    %c0_i32 = arith.constant 0 : i32
    %c0_i32_0 = arith.constant 0 : i32
    return %arg0, %c0_i32 : i32, i32
  }
  func.func @transform_6(%arg0: i32) -> (i32, i32) {
    %c0_i32 = arith.constant 0 : i32
    %c0_i32_0 = arith.constant 0 : i32
    return %arg0, %c0_i32 : i32, i32
  }
  func.func @transform_7(%arg0: i32) -> (i32, i32) {
    %c0_i32 = arith.constant 0 : i32
    %c0_i32_0 = arith.constant 0 : i32
    %c0_i32_1 = arith.constant 0 : i32
    return %c0_i32, %c0_i32_0 : i32, i32
  }
  func.func @transform_8(%arg0: i32) -> (i32, i32) {
    %c0_i32 = arith.constant 0 : i32
    %c0_i32_0 = arith.constant 0 : i32
    %c0_i32_1 = arith.constant 0 : i32
    return %c0_i32, %c0_i32_0 : i32, i32
  }
  func.func @transform_9(%arg0: i32) -> (i32, i32) {
    %c0_i32 = arith.constant 0 : i32
    %c0_i32_0 = arith.constant 0 : i32
    %c0_i32_1 = arith.constant 0 : i32
    return %c0_i32, %c0_i32_0 : i32, i32
  }
  func.func @transform_10(%arg0: i32) -> (i32, i32) {
    %c0_i32 = arith.constant 0 : i32
    %c0_i32_0 = arith.constant 0 : i32
    return %arg0, %c0_i32 : i32, i32
  }
}

</mosaic_0001>

<sc_bundles>
// kernel: kernel.5.cloned.1.call-start
scs
__scs_entry_jumppad:
0x0: {  	(pc) =	sbr.rel $0x88, $3  }
0x1: {  	(tag) =	ssettag $0x0;
	lr =	simm.s32 $0x1  }
0x2: {  	[smem:$0x3F97] =	sst lr;
	_ =	strace $0xD0000000  }
0x3: {  	_ = 	snop  }
0x4: {  	_ = 	snop  }
0x5: {  	_ = 	snop  }
0x6: {  	_ = 	snop  }
0x7: {  	_ = 	snop  }
__scs_overlays_trampoline_lowered:
0x8: {  	[smem:$0x3FA6] =	sst s0  }
0x9: {  	[smem:$0x3FA7] =	sst s1  }
0xa: {  	[smem:$0x3FA8] =	sst s2  }
0xb: {  	[smem:$0x3FA9] =	sst s3  }
0xc: {  	[smem:$0x3FAA] =	sst s4  }
0xd: {  	[smem:$0x3FAB] =	sst s5  }
0xe: {  	[smem:$0x3FAC] =	sst s6  }
0xf: {  	[smem:$0x3FAD] =	sst s7  }
0x10: {  	[smem:$0x3FAE] =	sst s8  }
0x11: {  	[smem:$0x3FAF] =	sst s9;
	s0 =	simm.s32 @!p0 $0x0  }
0x12: {  	s1 =	sld [smem:$0x3F95];
	s0 =	simm.s32 @p0 $0x1  }
0x13: {  	[smem:$0x3FB0] =	sst s0;
	s0 =	simm.s32 @!p1 $0x0  }
0x14: {  	s2 =	sld [smem:$0x3F94];
	s0 =	simm.s32 @p1 $0x1  }
0x15: {  	[smem:$0x3FB1] =	sst s0;
	s0 =	simm.s32 @!p2 $0x0  }
0x16: {  	s3 =	sld [smem:$0x3FDB];
	s0 =	simm.s32 @p2 $0x1  }
0x17: {  	s4 =	simm.s32 $0x1BF5;
	[smem:$0x3FB3] =	sst s0  }
0x18: {  	s0 =	sld [smem:$0x3F96];
	_ =	swait.ge [sflag:s4], $0x0  }
0x19: {  	s7 =	sld [smem:$0x3F97]  }
0x1a: {  	s8 =	sadd.s32 $0xFFFFE003, lr  }
0x1b: {  	s9 =	sadd.s32 $0xFFFFFEF7, lr;
	s5 =	simm.s32 $0xFFFFFFFF;
	p2 =	slt.u32 s8, $0xFFFFF086  }
0x1c: {  	p1 =	slt.u32 s9, $0xF7A;
	s5 =	simm.s32 @!p2 $0x0  }
0x1d: {  	s5 =	simm.s32 @p1 $0x1;
	p0 =	seq.s32 s7, s2  }
0x1e: {  	s7 =	smul.u32 @!p0 $0xF7A, s2;
	p2 =	seq.s32 @!p0 s5, $0x0  }
0x1f: {  	s9 =	smul.u32 $0xF7A, s1;
	s8 =	simm.s32 @!p0 $0x1BF5;
	p2 =	por !p2, p0  }
0x20: {  	[sflag:s8] =	ssyncset.s32 @!p0 $0xFFFFF086;
	s6 =	sadd.s32 @!p0 s3, s7;
	s7 =	simm.s32 @!p0 $0x108  }
0x21: {  	s3 =	sadd.s32 s3, s9;
	s6 =	sadd.s32 @!p0 $0x88, s6;
	s7 =	simm.s32 @p2 $0x1082  }
0x22: {  	[simem:s7], [sflag:s8] =	dma.local @!p0 [hbm:s6], $0xF7A  }
0x23: {  	s9 =	sor.u32 $0xD0000000, s2;
	s6 =	simm.s32 $0x108;
	_ =	swait.ge @!p0 [sflag:s8], $0x0  }
0x24: {  	s3 =	sadd.s32 $0x88, s3;
	s6 =	simm.s32 @!p1 $0x1082;
	[sflag:s4] =	ssyncset.s32 $0xFFFFF086  }
0x25: {  	[simem:s6], [sflag:s4] =	dma.local [hbm:s3], $0xF7A  }
0x26: {  	[smem:$0x3F97] =	sst s1;
	(tag) =	ssettag s2;
	_ =	strace s9  }
0x27: {  	s1 =	sld [smem:$0x3FA7]  }
0x28: {  	s2 =	sld [smem:$0x3FA8]  }
0x29: {  	s4 =	sld [smem:$0x3FAA]  }
0x2a: {  	p0 =	seq.s32 s5, $0x0;
	s5 =	sld [smem:$0x3FAB]  }
0x2b: {  	s6 =	sld [smem:$0x3FAC]  }
0x2c: {  	s7 =	sld [smem:$0x3FAD]  }
0x2d: {  	s3 =	simm.s32 $0x108;
	s8 =	sld [smem:$0x3FAE]  }
0x2e: {  	s3 =	simm.s32 @!p0 $0x1082;
	s9 =	sld [smem:$0x3FAF]  }
0x2f: {  	lr =	sadd.s32 s0, s3;
	s0 =	sld [smem:$0x3FA6]  }
0x30: {  	s3 =	sld [smem:$0x3FA9]  }
0x31: {  	[smem:$0x3FB2] =	sst s10  }
0x32: {  	s10 =	sld [smem:$0x3FB0];
	_ =	sdelay $0x3  }
0x33: {  	p0 =	seq.s32 s10, $0x1;
	s10 =	sld [smem:$0x3FB2];
	_ =	sdelay $0x3  }
0x34: {  	[smem:$0x3FB2] =	sst s10  }
0x35: {  	s10 =	sld [smem:$0x3FB1];
	_ =	sdelay $0x3  }
0x36: {  	p1 =	seq.s32 s10, $0x1;
	s10 =	sld [smem:$0x3FB2];
	_ =	sdelay $0x3  }
0x37: {  	[smem:$0x3FB2] =	sst s10  }
0x38: {  	s10 =	sld [smem:$0x3FB3]  }
0x39: {  	_ = 	snop;
	(pc) =	sbr.ind lr, $3  }
0x3a: {  	_ = 	snop  }
0x3b: {  	_ = 	snop  }
0x3c: {  	p2 =	seq.s32 s10, $0x1;
	s10 =	sld [smem:$0x3FB2]  }
0x3d: {  	_ =	shalt  }
0x3e: {  	_ =	shalt  }
0x3f: {  	_ =	shalt  }
0x40: {  	_ =	shalt  }
0x41: {  	_ =	shalt  }
0x42: {  	_ =	shalt  }
0x43: {  	_ =	shalt  }
0x44: {  	_ =	shalt  }
0x45: {  	_ =	shalt  }
0x46: {  	_ =	shalt  }
0x47: {  	_ =	shalt  }
0x48: {  	_ =	shalt  }
0x49: {  	_ =	shalt  }
0x4a: {  	_ =	shalt  }
0x4b: {  	_ =	shalt  }
0x4c: {  	_ =	shalt  }
0x4d: {  	_ =	shalt  }
0x4e: {  	_ =	shalt  }
0x4f: {  	_ =	shalt  }
0x50: {  	_ =	shalt  }
0x51: {  	_ =	shalt  }
0x52: {  	_ =	shalt  }
0x53: {  	_ =	shalt  }
0x54: {  	_ =	shalt  }
0x55: {  	_ =	shalt  }
0x56: {  	_ =	shalt  }
0x57: {  	_ =	shalt  }
0x58: {  	_ =	shalt  }
0x59: {  	_ =	shalt  }
0x5a: {  	_ =	shalt  }
0x5b: {  	_ =	shalt  }
0x5c: {  	_ =	shalt  }
0x5d: {  	_ =	shalt  }
0x5e: {  	_ =	shalt  }
0x5f: {  	_ =	shalt  }
0x60: {  	_ =	shalt  }
0x61: {  	_ =	shalt  }
0x62: {  	_ =	shalt  }
0x63: {  	_ =	shalt  }
0x64: {  	_ =	shalt  }
0x65: {  	_ =	shalt  }
0x66: {  	_ =	shalt  }
0x67: {  	_ =	shalt  }
0x68: {  	_ =	shalt  }
0x69: {  	_ =	shalt  }
0x6a: {  	_ =	shalt  }
0x6b: {  	_ =	shalt  }
0x6c: {  	_ =	shalt  }
0x6d: {  	_ =	shalt  }
0x6e: {  	_ =	shalt  }
0x6f: {  	_ =	shalt  }
0x70: {  	_ =	shalt  }
0x71: {  	_ =	shalt  }
0x72: {  	_ =	shalt  }
0x73: {  	_ =	shalt  }
0x74: {  	_ =	shalt  }
0x75: {  	_ =	shalt  }
0x76: {  	_ =	shalt  }
0x77: {  	_ =	shalt  }
0x78: {  	_ =	shalt  }
0x79: {  	_ =	shalt  }
0x7a: {  	_ =	shalt  }
0x7b: {  	_ =	shalt  }
0x7c: {  	_ =	shalt  }
0x7d: {  	_ =	shalt  }
0x7e: {  	_ =	shalt  }
0x7f: {  	_ =	shalt  }
0x80: {  	_ =	shalt  }
0x81: {  	_ =	shalt  }
0x82: {  	_ =	shalt  }
0x83: {  	_ =	shalt  }
0x84: {  	_ =	shalt  }
0x85: {  	_ =	shalt  }
0x86: {  	_ =	shalt  }
0x87: {  	_ =	shalt  }
.Lfunc_end0:
.L_simem_size_0:
called_computation_lowered:
.L_overlay_start_0:
0x88: {  	s2 =	sld [smem:$0x3FD9]  }
0x89: {  	s3 =	sld [smem:$0x3FFE];
	_ =	sdelay $0x1  }
0x8a: {  	s1 =	srdreg.scid  }
0x8b: {  	s0 =	sand.u32 $0x1, s1  }
0x8c: {  	s18 =	sshll.u32 s0, $0xA;
	s2 =	sadd.s32 s3, s2  }
0x8d: {  	s2 =	sadd.s32 s2, s18  }
0x8e: {  	[smem:$0x3FBE] =	sst s2  }
0x8f: {  	_ = 	snop  }
0x90: {  	s2 =	sld [smem:$0x3FC9]  }
0x91: {  	s19 =	sld [smem:$0x3FC5]  }
0x92: {  	s4 =	sld [smem:$0x3FD0];
	(tm) =	ssettm $0x1  }
0x93: {  	s5 =	sld [smem:$0x3FFB];
	_ =	sdelay $0x3  }
0x94: {  	_ =	strace s5  }
0x95: {  	s5 =	sld [smem:$0x3FFC];
	_ =	sdelay $0x3  }
0x96: {  	_ =	strace s5  }
0x97: {  	s5 =	sld [smem:$0x3FFD];
	_ =	sdelay $0x3  }
0x98: {  	_ =	strace s5  }
0x99: {  	_ =	strace $0x8FFFFFFF  }
0x9a: {  	s20 =	sld [smem:$0x3FDB];
	_ =	sdelay $0x1  }
0x9b: {  	s6 =	simm.s32 $_scs_section_size  }
0x9c: {  	s7 =	simm.s32 $_size__tile_overlayer_lowered;
	s8 =	simm.s32 $_tile_overlayer_lowered  }
0x9d: {  	s23 =	simm.s32 $0x1BFF;
	s22 =	sshll.u32 s8, $0x1;
	s5 =	sadd.s32 s6, s20  }
0x9e: {  	s9 =	simm.s32 $0x0;
	s21 =	sshll.u32 s7, $0x1;
	s7 =	sadd.s32 s22, s5  }
0x9f: {  	[timem:s9], [sflag:s23] =	dma.local [hbm:s7], s21  }
0xa0: {  	_ =	swait.ge [sflag:s23], s21  }
0xa1: {  	s6 =	ssub.s32 $0x0, s21;
	[sflag:s23] =	ssyncset.done $0x0  }
0xa2: {  	[sflag:s23] =	ssyncadd.s32 s6;
	_ =	sdelay $0x1  }
0xa3: {  	s24 =	simm.s32 $0x1B8B  }
0xa4: {  	_ =	swait.ge [sflag:s24], $0x1  }
0xa5: {  	[sflag:s24] =	ssyncset.done $0x0  }
0xa6: {  	s25 =	simm.s32 $0x1B8E;
	[sflag:s24] =	ssyncadd.s32 $0xFFFFFFFF  }
0xa7: {  	s26 =	simm.s32 $execute0_lowered;
	[smem:$0x3FD2] =	sst s25  }
0xa8: {  	s6 =	sshll.u32 s26, $0x1;
	_ =	strace $0x80000046;
	[dreg:$0x1] =	wrdreg $0xFFFFFFFF  }
0xa9: {  	s28 =	simm.s32 $_size_execute0_lowered;
	s5 =	sadd.s32 s5, s6;
	[dreg:$0x0] =	wrdreg $0x0  }
0xaa: {  	s6 =	sshll.u32 s28, $0x1;
	[dreg:$0x2] =	wrdreg s5  }
0xab: {  	[dreg:$0x3] =	wrdreg s6  }
0xac: {  	[dreg:$0x4] =	wrdreg $0xC0  }
0xad: {  	_ =	task [dreg:s9], $0x5FFFF  }
0xae: {  	[dreg:$0x1] =	wrdreg $0xFFFFFFFF  }
0xaf: {  	[dreg:$0x0] =	wrdreg $0x60  }
0xb0: {  	[dreg:$0x2] =	wrdreg s2  }
0xb1: {  	[dreg:$0x3] =	wrdreg s19  }
0xb2: {  	[dreg:$0x4] =	wrdreg s4  }
0xb3: {  	[dreg:$0x5] =	wrdreg $0x8000  }
0xb4: {  	[dreg:$0x6] =	wrdreg $0xFC280  }
0xb5: {  	[dreg:$0x7] =	wrdreg $0x9  }
0xb6: {  	_ =	task.clear_ibuf [dreg:s9], $0x8FFFF;
	_ =	strace $0x90000046  }
0xb7: {  	s29 =	simm.s32 $0x9;
	_ =	strace $0x80000048  }
0xb8: {  	_ =	swait.ge [sflag:s29], $0x1  }
0xb9: {  	[sflag:s29] =	ssyncadd.s32 $0xFFFFFFFF  }
0xba: {  	_ =	strace $0x90000048  }
0xbb: {  	_ =	sfence  }
0xbc: {  	s30 =	sld [smem:$0x0];
	_ =	sdelay $0x2  }
0xbd: {  	s31 =	sshll.u32 s1, $0xD;
	s1 =	sshrl.u32 s1, $0x2  }
0xbe: {  	s3 =	sand.u32 $0x4000, s31;
	s1 =	sadd.s32 s1, s30  }
0xbf: {  	s0 =	sor.u32 s3, s0;
	s1 =	sshll.u32 s1, $0x11  }
0xc0: {  	s0 =	sor.u32 s1, s0  }
0xc1: {  	s0 =	sadd.s32 $0x8F2B, s0  }
0xc2: {  	[sflag:s0] =	ssyncadd.remote.s32 $0x1  }
0xc3: {  	_ =	sfence.sel $0xFFFF  }
0xc4: {  	[dreg:$0x0] =	wrdreg $0xFFFFFFFF;
	(pc) =	sbr.abs _section_cstart, $3  }
0xc5: {  	[dreg:$0x1] =	wrdreg $0xFFFFFFFF  }
0xc6: {  	_ =	task.clear_ibuf [dreg:s9], $0x2FFFF;
	_ =	strace $0x9FFFFFFF  }
0xc7: {  	(tm) =	ssettm $0x7FFFFFFF  }
tec
execute0_lowered:
.L_overlay_start_1:
0x0: {  	(tag) =	ssettag $0x1  }
0x1: {  	s0 =	rddreg [dreg:$0x0]  }
0x2: {  	s1 =	rddreg [dreg:$0x1]  }
0x3: {  	s2 =	rddreg [dreg:$0x3]  }
0x4: {  	s6 =	rddreg [dreg:$0x4]  }
0x5: {  	s3 =	srdreg.scid;
	s4 =	simm.s32 $0x0;
	s5 =	stileid.u32  }
0x6: {  	s21 =	simm.s32 $0x3;
	s22 =	simm.s32 $0x400;
	s23 =	simm.s32 $0x1  }
0x7: {  	s3 =	sand.u32 $0x1, s3;
	[smem:$0x7FF] =	sst s4;
	s28 =	sshll.u32 s5, $0x13  }
0x8: {  	s12 =	sshll.u32 s5, $0x10;
	s30 =	sshll.u32 s5, $0xD;
	s31 =	sshll.u32 s5, $0x7  }
0x9: {  	s26 =	ssub.s32 $0x2, s3;
	_ =	strace $0x80000047;
	[dreg:$0x12] =	wrdreg s28  }
0xa: {  	s10 =	smul.u32 $0xF42800, s3;
	[dreg:$0x13] =	wrdreg s30;
	s0 =	sadd.s32 s0, s31  }
0xb: {  	s24 =	sshll.u32 s3, $0x4;
	s3 =	sshll.u32 s3, $0x12;
	[dreg:$0x17] =	wrdreg s0  }
0xc: {  	s8 =	sadd.s32 s12, s2;
	s2 =	sadd.s32 $0xF0000, s2;
	[dreg:$0x19] =	wrdreg s3  }
0xd: {  	p0 =	seq.s32 s5, $0xF;
	p1 =	sne.s32 s5, $0xF;
	[dreg:$0x9] =	wrdreg s2  }
0xe: {  	s7 =	sshrl.u32 s26, $0x1;
	s0 =	sadd.s32 s12, s6;
	[dreg:$0x8] =	wrdreg s8  }
0xf: {  	s2 =	sshrl.u32 @p0 s2, $0x3;
	s3 =	sshll.u32 @!p0 s5, $0x6;
	[dreg:$0x14] =	wrdreg s24  }
0x10: {  	s4 =	ssub.s32 s26, s7;
	[dreg:$0x1a] =	wrdreg s2;
	s2 =	sor.u32 @!p0 $0x1C02, s3  }
0x11: {  	s11 =	sadd.s32 s28, s10;
	s0 =	sshrl.u32 @!p0 s0, $0x3;
	[dreg:$0xa] =	wrdreg s2  }
0x12: {  	s10 =	sshrl.u32 s10, $0x3;
	s4 =	smax.u32 s4, $0x1;
	[dreg:$0x6] =	wrdreg s0  }
0x13: {  	s11 =	sshrl.u32 s11, $0x3;
	s2 =	sshrl.u32 @!p0 s8, $0x3;
	[dreg:$0x18] =	wrdreg s4  }
0x14: {  	s10 =	sadd.s32 s1, s10;
	s9 =	sadd.s32 s1, s11;
	[dreg:$0x1b] =	wrdreg s2  }
0x15: {  	s29 =	sadd.s32 $0xF0000, s10;
	s10 =	sadd.s32 $0xF0000, s6;
	[dreg:$0x15] =	wrdreg s9  }
0x16: {  	s1 =	simm.s32 @!p0 $0x0;
	[dreg:$0x16] =	wrdreg s29;
	s3 =	sshrl.u32 @p0 s10, $0x3  }
0x17: {  	s17 =	sor.u32 $0x2, s24;
	s1 =	simm.s32 @p0 $0x1;
	[dreg:$0x7] =	wrdreg s3  }
0x18: {  	s10 =	simm.s32 $0x80;
	[smem:$0x7FD] =	sst s1;
	s3 =	simm.s32 $0x0  }
.LBB2_1:
0x19: {  	s0 =	sld [smem:$0x7FD];
	_ =	sdelay $0x1  }
0x1a: {  	[dreg:$0x1c] =	wrdreg s3  }
0x1b: {  	s2 =	rddreg [dreg:$0x1a];
	p0 =	seq.s32 s0, $0x1  }
0x1c: {  	s0 =	rddreg [dreg:$0x16];
	s18 =	simm.s32 @p0 $0x1  }
0x1d: {  	s19 =	simm.s32 @p0 $0x10;
	s20 =	simm.s32 @p0 $0x80;
	s1 =	simm.s32 @p0 $0x1FC2  }
0x1e: {  	[spmem:s2@s19], [sflag:s1] =	dma.strided @p0 [hbm:s0@s20], $0x850, s18, $0x10   }
0x1f: {  	s0 =	rddreg [dreg:$0x15]  }
0x20: {  	s9 =	simm.s32 @!p0 $0x1;
	s8 =	rddreg [dreg:$0xa]  }
0x21: {  	s11 =	simm.s32 @!p0 $0x10;
	s26 =	simm.s32 @!p0 $0x80;
	s2 =	rddreg [dreg:$0x1b]  }
0x22: {  	[spmem:s2@s11], [sflag:s8] =	dma.strided @!p0 [hbm:s0@s26], $0x2000, s9, $0x10   }
0x23: {  	s2 =	simm.s32 $0x0;
	s0 =	rddreg [dreg:$0x17]  }
0x24: {  	[tilespmem:s2], [sflag:$0x3] =	stream.linear.gather [hbm4b:s0+s2], $0x400, $0x38;
	[tilespmem:$0x1F050] =	vst v63  }
0x25: {  	_ =	swait.ge [sflag:s21], $0x400  }
0x26: {  	[sflag:s21] =	ssyncset.done $0x0  }
0x27: {  	s3 =	simm.s32 @p0 $0x2;
	[sflag:s21] =	ssyncadd.s32 $0xFFFFFC00  }
0x28: {  	_ =	swait.ge @p0 [sflag:s3], $0x850  }
0x29: {  	[sflag:s3] =	ssyncset.done @p0 $0x0  }
0x2a: {  	[sflag:s3] =	ssyncadd.s32 @p0 $0xFFFFF7B0;
	s3 =	simm.s32 @!p0 $0x2  }
0x2b: {  	_ =	swait.ge @!p0 [sflag:s3], $0x2000  }
0x2c: {  	s12 =	simm.s32 $0x80;
	[sflag:s3] =	ssyncset.done @!p0 $0x0  }
0x2d: {  	p2 =	por @p1 $0x0, $0x0;
	p3 =	por @!p1 $0x1, $0x1;
	[sflag:s3] =	ssyncadd.s32 @!p0 $0xFFFFE000  }
0x2e: {  	p5 =	por p2, !p1;
	p3 =	por !p3, p1;
	[bflag:$0x0] =	sbarrier.arrive $0xFFFF  }
0x2f: {  	p2 =	por !p2, !p1;
	s4 =	sor.u32 s24, s2;
	s7 =	rddreg [dreg:$0x12]  }
0x30: {  	s25 =	simm.s32 @!p3 $0x100;
	s4 =	sshrl.u32 s4, $0x3;
	s5 =	rddreg [dreg:$0x19]  }
0x31: {  	p4 =	por @!p5 $0x1, $0x1;
	s4 =	smul.u32 $0x7A1400, s4;
	s13 =	rddreg [dreg:$0x13]  }
0x32: {  	s30 =	simm.s32 @!p3 $0x1;
	s3 =	sand.u32 $0x380, s12;
	s16 =	rddreg [dreg:$0x7]  }
0x33: {  	s0 =	simm.s32 @p0 $0x1;
	s12 =	sadd.s32 @p0 s3, s4;
	s28 =	rddreg [dreg:$0x1]  }
0x34: {  	s14 =	sand.u32 $0x300, s2;
	s12 =	sadd.s32 @p0 $0x780000, s12;
	[dreg:$0xd] =	wrdreg s0  }
0x35: {  	s0 =	simm.s32 @p0 $0x10;
	s4 =	sadd.s32 @!p0 s7, s4;
	s12 =	sshrl.u32 @p0 s12, $0x3  }
0x36: {  	s15 =	sand.u32 $0x60000, s5;
	[dreg:$0xe] =	wrdreg s0;
	s0 =	simm.s32 @p0 $0x80  }
0x37: {  	s14 =	sor.u32 s14, s13;
	[dreg:$0xf] =	wrdreg s0;
	s0 =	simm.s32 @p0 $0x1FC2  }
0x38: {  	s4 =	sor.u32 @!p0 s3, s4;
	s12 =	sadd.s32 @p0 s28, s12;
	[dreg:$0x11] =	wrdreg s0  }
0x39: {  	[spmem:s16@s19], [sflag:s1] =	dma.strided @p0 [hbm:s12@s20], $0x850, s18, $0x10   }
0x3a: {  	s14 =	sor.u32 s15, s14;
	s3 =	sor.u32 s13, s3;
	[dreg:$0xb] =	wrdreg s9  }
0x3b: {  	s4 =	sshrl.u32 @!p0 s4, $0x3;
	s14 =	sshrl.u32 s14, $0x3;
	[dreg:$0x10] =	wrdreg s11  }
0x3c: {  	s3 =	sor.u32 s15, s3;
	s15 =	sadd.s32 $0x8000, s5;
	[dreg:$0xc] =	wrdreg s26  }
0x3d: {  	s12 =	sadd.s32 @!p5 $0x0, s17;
	s4 =	sadd.s32 @!p0 s28, s4;
	s18 =	rddreg [dreg:$0x6]  }
0x3e: {  	[spmem:s18@s11], [sflag:s8] =	dma.strided @!p0 [hbm:s4@s26], $0x2000, s9, $0x10   }
0x3f: {  	s16 =	simm.s32 @!p5 $0x100;
	s20 =	sadd.s32 @!p3 $0x0, s17;
	s19 =	rddreg [dreg:$0x3]  }
0x40: {  	[tilespmem:s22], [sflag:$0x1] =	stream.indirect.gather [spmem:s19], $0x1, s2, s22, $0xb8;
	[tilespmem:$0x1F050] =	vst v63  }
0x41: {  	s12 =	sshrl.u32 @!p5 s12, $0x3;
	s16 =	sand.u32 @!p5 $0x300, s16;
	_ =	swait.ge [sflag:s23], $0x400  }
0x42: {  	s4 =	smul.u32 @!p5 $0x7A1400, s12;
	s12 =	sshrl.u32 @!p3 s20, $0x3;
	[sflag:s23] =	ssyncset.done $0x0  }
0x43: {  	s20 =	sand.u32 @!p3 $0x300, s25;
	p0 =	por @p1 $0x0, $0x0;
	s26 =	rddreg [dreg:$0x2]  }
0x44: {  	s12 =	smul.u32 @!p3 $0x7A1400, s12;
	[sflag:s23] =	ssyncadd.s32 $0xFFFFFC00;
	s14 =	sadd.s32 s26, s14  }
0x45: {  	[hbm4b:s14+s10] =	stream.strided.scatter [tilespmem:s22], [sflag:$0x3], $0x400, s22, s10, $0x38;
	[tilespmem:$0x1F050] =	vst v63  }
0x46: {  	s2 =	stileid.u32;
	s4 =	sadd.s32 @!p5 s7, s4;
	_ =	swait.ge [sflag:s21], $0x400  }
0x47: {  	s18 =	sshll.u32 @!p5 s2, $0x6;
	s4 =	sor.u32 @!p5 s16, s4;
	[sflag:s21] =	ssyncset.done $0x0  }
0x48: {  	s14 =	sor.u32 @!p5 $0x1C02, s18;
	s18 =	simm.s32 @p1 $0x2;
	[sflag:s21] =	ssyncadd.s32 $0xFFFFFC00  }
0x49: {  	s12 =	sor.u32 @!p3 s20, s12;
	s16 =	simm.s32 @!p5 $0x1;
	_ =	swait.ge @p1 [sflag:s18], $0x2000  }
0x4a: {  	s20 =	simm.s32 @!p5 $0x10;
	s4 =	sshrl.u32 @!p5 s4, $0x3;
	[sflag:s18] =	ssyncset.done @p1 $0x0  }
0x4b: {  	s4 =	sadd.s32 @!p5 s28, s4;
	s0 =	rddreg [dreg:$0x8];
	[sflag:s18] =	ssyncadd.s32 @p1 $0xFFFFE000  }
0x4c: {  	s26 =	simm.s32 @!p5 $0x80;
	s25 =	sshrl.u32 @!p5 s0, $0x3;
	[bflag:$0x0] =	sbarrier.arrive @p1 $0xFFFF  }
0x4d: {  	[spmem:s25@s20], [sflag:s14] =	dma.strided @!p5 [hbm:s4@s26], $0x2000, s16, $0x10   }
0x4e: {  	p4 =	por @!p2 p0, p0;
	p2 =	por @!p1 $0x0, $0x0;
	p5 =	por @!p3 $0x1, $0x1  }
0x4f: {  	s4 =	sadd.s32 @!p3 $0x780000, s12;
	s14 =	simm.s32 $0x2;
	s20 =	simm.s32 $0x4  }
0x50: {  	s25 =	sshrl.u32 s3, $0x3;
	s26 =	simm.s32 @!p3 $0x10;
	s16 =	simm.s32 @!p1 $0x2  }
0x51: {  	s12 =	simm.s32 $0x100;
	p2 =	por @!p3 p5, p5;
	s4 =	sshrl.u32 @!p3 s4, $0x3  }
0x52: {  	s0 =	rddreg [dreg:$0x9];
	s31 =	sor.u32 s24, s14;
	_ =	swait.ge @!p1 [sflag:s16], $0x850  }
0x53: {  	s3 =	sadd.s32 @!p3 s28, s4;
	s4 =	simm.s32 @!p3 $0x1FC2;
	p4 =	por @!p1 p2, p2  }
0x54: {  	s28 =	simm.s32 @!p3 $0x80;
	s29 =	sshrl.u32 @!p3 s0, $0x3;
	p5 =	seq.s32 @p4 s2, $0xF  }
.LBB2_2:
0x55: {  	[sflag:s16] =	ssyncset.done @!p1 $0x0  }
0x56: {  	s31 =	sshrl.u32 s31, $0x3;
	[sflag:s16] =	ssyncadd.s32 @!p1 $0xFFFFF7B0  }
0x57: {  	p6 =	por p5, !p4;
	s0 =	sadd.s32 $0x80, s12;
	[bflag:$0x0] =	sbarrier.arrive @!p1 $0xFFFF  }
0x58: {  	s5 =	simm.s32 $0x0;
	p2 =	por !p5, !p4;
	s8 =	rddreg [dreg:$0x2]  }
0x59: {  	[spmem:s29@s26], [sflag:s4] =	dma.strided @!p3 [hbm:s3@s28], $0x850, s30, $0x10   }
0x5a: {  	s24 =	simm.s32 $0x80;
	s10 =	sand.u32 $0x300, s12;
	s1 =	sld [smem:$0x7FD]  }
0x5b: {  	[tilespmem:s22], [sflag:$0x1] =	stream.indirect.gather [spmem:s6], $0x1, s5, s22, $0xb8;
	[tilespmem:$0x1F050] =	vst v63  }
0x5c: {  	s31 =	smul.u32 $0x7A1400, s31;
	s13 =	rddreg [dreg:$0x12];
	_ =	swait.ge [sflag:s23], $0x400  }
0x5d: {  	s0 =	sand.u32 $0x380, s0;
	[sflag:s23] =	ssyncset.done $0x0;
	p0 =	seq.s32 s1, $0x1  }
0x5e: {  	s25 =	sadd.s32 s8, s25;
	[sflag:s23] =	ssyncadd.s32 $0xFFFFFC00;
	s3 =	sadd.s32 @p0 s0, s31  }
0x5f: {  	[hbm4b:s25+s24] =	stream.strided.scatter [tilespmem:s22], [sflag:$0x3], $0x400, s22, s24, $0x38;
	[tilespmem:$0x1F050] =	vst v63  }
0x60: {  	s28 =	smov.u32 s20;
	s3 =	sadd.s32 @p0 $0x780000, s3;
	_ =	swait.ge [sflag:s21], $0x400  }
0x61: {  	s4 =	sadd.s32 @!p0 s13, s31;
	s26 =	sshrl.u32 @p0 s3, $0x3;
	[sflag:s21] =	ssyncset.done $0x0  }
0x62: {  	s3 =	sor.u32 @!p0 s0, s4;
	s4 =	simm.s32 @!p2 $0x2;
	[sflag:s21] =	ssyncadd.s32 $0xFFFFFC00  }
0x63: {  	s20 =	sadd.s32 $0x2, s20;
	s11 =	rddreg [dreg:$0x13];
	_ =	swait.ge @!p2 [sflag:s4], $0x850  }
0x64: {  	s29 =	sand.u32 $0x60000, s15;
	p4 =	sne.s32 s20, $0x10;
	[sflag:s4] =	ssyncset.done @!p2 $0x0  }
0x65: {  	s1 =	simm.s32 @!p4 $0x0;
	[sflag:s4] =	ssyncadd.s32 @!p2 $0xFFFFF7B0;
	s4 =	simm.s32 @!p6 $0x2  }
0x66: {  	s1 =	simm.s32 @p4 $0x1;
	s25 =	sor.u32 s10, s11;
	_ =	swait.ge @!p6 [sflag:s4], $0x2000  }
0x67: {  	s0 =	sor.u32 s11, s0;
	s25 =	sor.u32 s29, s25;
	[sflag:s4] =	ssyncset.done @!p6 $0x0  }
0x68: {  	s0 =	sor.u32 s29, s0;
	s29 =	sadd.s32 $0x1, s14;
	[sflag:s4] =	ssyncadd.s32 @!p6 $0xFFFFE000  }
0x69: {  	p3 =	slt.u32 @!p1 s29, $0xF;
	p2 =	sgt.u32 @p1 s29, $0xE;
	[bflag:$0x0] =	sbarrier.arrive $0xFFFF  }
0x6a: {  	p3 =	por !p3, p1;
	p5 =	por p2, !p1;
	s7 =	rddreg [dreg:$0x1]  }
0x6b: {  	s29 =	sadd.s32 @!p5 s14, s17;
	s14 =	sadd.s32 @!p3 s14, s17;
	[smem:$0x7FC] =	sst s1  }
0x6c: {  	s14 =	sshrl.u32 @!p3 s14, $0x3;
	s9 =	rddreg [dreg:$0xd]  }
0x6d: {  	s2 =	smul.u32 @!p3 $0x7A1400, s14;
	s14 =	rddreg [dreg:$0xe]  }
0x6e: {  	s19 =	rddreg [dreg:$0xf]  }
0x6f: {  	s1 =	rddreg [dreg:$0x11]  }
0x70: {  	s4 =	sadd.s32 @p0 s7, s26;
	s26 =	rddreg [dreg:$0x7]  }
0x71: {  	[spmem:s26@s14], [sflag:s1] =	dma.strided @p0 [hbm:s4@s19], $0x850, s9, $0x10   }
0x72: {  	s3 =	sshrl.u32 @!p0 s3, $0x3;
	s4 =	rddreg [dreg:$0x6]  }
0x73: {  	s11 =	stileid.u32;
	s30 =	sshrl.u32 s25, $0x3;
	s9 =	rddreg [dreg:$0xa]  }
0x74: {  	s25 =	sshrl.u32 s0, $0x3;
	s31 =	sadd.s32 @!p3 $0x100, s12;
	s26 =	rddreg [dreg:$0xb]  }
0x75: {  	s31 =	sand.u32 @!p3 $0x300, s31;
	s14 =	smov.u32 s28;
	s28 =	rddreg [dreg:$0xc]  }
0x76: {  	s10 =	sshll.u32 @!p5 s11, $0x6;
	s3 =	sadd.s32 @!p0 s7, s3;
	s19 =	rddreg [dreg:$0x10]  }
0x77: {  	[spmem:s4@s19], [sflag:s9] =	dma.strided @!p0 [hbm:s3@s28], $0x2000, s26, $0x10   }
0x78: {  	s0 =	sshrl.u32 @!p5 s29, $0x3;
	s29 =	sadd.s32 @!p5 $0x100, s12;
	s3 =	rddreg [dreg:$0x3]  }
0x79: {  	[tilespmem:s22], [sflag:$0x1] =	stream.indirect.gather [spmem:s3], $0x1, s5, s22, $0xb8;
	[tilespmem:$0x1F050] =	vst v63  }
0x7a: {  	s0 =	smul.u32 @!p5 $0x7A1400, s0;
	s3 =	rddreg [dreg:$0x8];
	_ =	swait.ge [sflag:s23], $0x400  }
0x7b: {  	s10 =	sor.u32 @!p5 $0x1C02, s10;
	s29 =	sand.u32 @!p5 $0x300, s29;
	[sflag:s23] =	ssyncset.done $0x0  }
0x7c: {  	s0 =	sadd.s32 @!p5 s13, s0;
	s19 =	sadd.s32 s8, s30;
	[sflag:s23] =	ssyncadd.s32 $0xFFFFFC00  }
0x7d: {  	[hbm4b:s19+s24] =	stream.strided.scatter [tilespmem:s22], [sflag:$0x3], $0x400, s22, s24, $0x38;
	[tilespmem:$0x1F050] =	vst v63  }
0x7e: {  	s2 =	sor.u32 @!p3 s31, s2;
	s31 =	simm.s32 @!p5 $0x1;
	_ =	swait.ge [sflag:s21], $0x400  }
0x7f: {  	s0 =	sor.u32 @!p5 s29, s0;
	s2 =	sadd.s32 @!p3 $0x780000, s2;
	[sflag:s21] =	ssyncset.done $0x0  }
0x80: {  	s2 =	sshrl.u32 @!p3 s2, $0x3;
	s0 =	sshrl.u32 @!p5 s0, $0x3;
	[sflag:s21] =	ssyncadd.s32 $0xFFFFFC00  }
0x81: {  	s9 =	simm.s32 @!p5 $0x10;
	s0 =	sadd.s32 @!p5 s7, s0;
	_ =	swait.ge @p1 [sflag:s18], $0x2000  }
0x82: {  	s5 =	smov.u32 s6;
	s6 =	sshrl.u32 @!p5 s3, $0x3;
	[sflag:s18] =	ssyncset.done @p1 $0x0  }
0x83: {  	s3 =	sadd.s32 @!p3 s7, s2;
	s2 =	rddreg [dreg:$0x9];
	[sflag:s18] =	ssyncadd.s32 @p1 $0xFFFFE000  }
0x84: {  	s29 =	sshrl.u32 @!p3 s2, $0x3;
	s2 =	simm.s32 @!p5 $0x80;
	[bflag:$0x0] =	sbarrier.arrive @p1 $0xFFFF  }
0x85: {  	[spmem:s6@s9], [sflag:s10] =	dma.strided @!p5 [hbm:s0@s2], $0x2000, s31, $0x10   }
0x86: {  	p2 =	por !p2, !p1;
	s0 =	rddreg [dreg:$0x14];
	_ =	swait.ge @!p1 [sflag:s16], $0x850  }
0x87: {  	p4 =	por @!p5 $0x1, $0x1;
	p6 =	por @p1 $0x0, $0x0;
	s24 =	sld [smem:$0x7FC]  }
0x88: {  	p4 =	por @!p2 p6, p6;
	p2 =	por @!p3 $0x1, $0x1;
	p0 =	por @!p1 $0x0, $0x0  }
0x89: {  	p0 =	por @!p3 p2, p2  }
0x8a: {  	p4 =	por @!p1 p0, p0;
	p0 =	seq.s32 s24, $0x1  }
.Ltmp0:
0x8b: {  	_ = 	snop;
	(pc) =	sbr.rel @p0 .LBB2_2-.Ltmp0, $4  }
0x8c: {  	_ = 	snop  }
0x8d: {  	s15 =	sadd.s32 $0x8000, s15;
	s12 =	sadd.s32 $0x100, s12;
	s4 =	simm.s32 @!p3 $0x1FC2  }
0x8e: {  	s26 =	simm.s32 @!p3 $0x10;
	s28 =	simm.s32 @!p3 $0x80;
	s30 =	simm.s32 @!p3 $0x1  }
0x8f: {  	s6 =	smov.u32 s5;
	p5 =	seq.s32 @p4 s11, $0xF;
	s31 =	sor.u32 s0, s14  }
0x90: {  	[sflag:s16] =	ssyncset.done @!p1 $0x0  }
0x91: {  	[sflag:s16] =	ssyncadd.s32 @!p1 $0xFFFFF7B0  }
0x92: {  	s11 =	simm.s32 $0x0;
	[bflag:$0x0] =	sbarrier.arrive @!p1 $0xFFFF  }
0x93: {  	[spmem:s29@s26], [sflag:s4] =	dma.strided @!p3 [hbm:s3@s28], $0x850, s30, $0x10   }
0x94: {  	[tilespmem:s22], [sflag:$0x1] =	stream.indirect.gather [spmem:s6], $0x1, s11, s22, $0xb8;
	[tilespmem:$0x1F050] =	vst v63  }
0x95: {  	_ =	swait.ge [sflag:s23], $0x400  }
0x96: {  	[sflag:s23] =	ssyncset.done $0x0  }
0x97: {  	s18 =	rddreg [dreg:$0x2]  }
0x98: {  	s20 =	simm.s32 $0x80;
	[sflag:s23] =	ssyncadd.s32 $0xFFFFFC00;
	s0 =	sadd.s32 s18, s25  }
0x99: {  	[hbm4b:s0+s20] =	stream.strided.scatter [tilespmem:s22], [sflag:$0x3], $0x400, s22, s20, $0x38;
	[tilespmem:$0x1F050] =	vst v63  }
0x9a: {  	_ =	swait.ge [sflag:s21], $0x400  }
0x9b: {  	p0 =	por !p5, !p4;
	[sflag:s21] =	ssyncset.done $0x0  }
0x9c: {  	s0 =	simm.s32 @!p0 $0x2;
	[sflag:s21] =	ssyncadd.s32 $0xFFFFFC00  }
0x9d: {  	_ =	swait.ge @!p0 [sflag:s0], $0x850  }
0x9e: {  	p2 =	por p5, !p4;
	[sflag:s0] =	ssyncset.done @!p0 $0x0  }
0x9f: {  	[sflag:s0] =	ssyncadd.s32 @!p0 $0xFFFFF7B0;
	s0 =	simm.s32 @!p2 $0x2  }
0xa0: {  	_ =	swait.ge @!p2 [sflag:s0], $0x2000  }
0xa1: {  	[sflag:s0] =	ssyncset.done @!p2 $0x0  }
0xa2: {  	s24 =	sld [smem:$0x7FD];
	[sflag:s0] =	ssyncadd.s32 @!p2 $0xFFFFE000  }
0xa3: {  	s2 =	sshrl.u32 s31, $0x3;
	[bflag:$0x0] =	sbarrier.arrive $0xFFFF  }
0xa4: {  	s19 =	sadd.s32 $0x80, s12;
	s2 =	smul.u32 $0x7A1400, s2;
	s4 =	rddreg [dreg:$0x7]  }
0xa5: {  	s3 =	sand.u32 $0x380, s19;
	p0 =	seq.s32 s24, $0x1;
	s7 =	rddreg [dreg:$0x1]  }
0xa6: {  	s6 =	rddreg [dreg:$0xd];
	s0 =	sadd.s32 @p0 s3, s2  }
0xa7: {  	s8 =	rddreg [dreg:$0xe];
	s0 =	sadd.s32 @p0 $0x780000, s0  }
0xa8: {  	s9 =	rddreg [dreg:$0xf];
	s0 =	sshrl.u32 @p0 s0, $0x3  }
0xa9: {  	s1 =	rddreg [dreg:$0x11];
	s0 =	sadd.s32 @p0 s7, s0  }
0xaa: {  	[spmem:s4@s8], [sflag:s1] =	dma.strided @p0 [hbm:s0@s9], $0x850, s6, $0x10   }
0xab: {  	s1 =	rddreg [dreg:$0x12]  }
0xac: {  	s4 =	rddreg [dreg:$0x6]  }
0xad: {  	s13 =	rddreg [dreg:$0x13]  }
0xae: {  	s26 =	sand.u32 $0x60000, s15;
	s25 =	sand.u32 $0x300, s12;
	s9 =	rddreg [dreg:$0xa]  }
0xaf: {  	s6 =	sadd.s32 $0x1, s14;
	s10 =	rddreg [dreg:$0xb];
	s0 =	sadd.s32 @!p0 s1, s2  }
0xb0: {  	p2 =	sgt.u32 @p1 s6, $0xE;
	s15 =	rddreg [dreg:$0xc];
	s0 =	sor.u32 @!p0 s3, s0  }
0xb1: {  	s16 =	rddreg [dreg:$0x10];
	s8 =	sor.u32 s25, s13;
	s2 =	sshrl.u32 @!p0 s0, $0x3  }
0xb2: {  	p3 =	por p2, !p1;
	s28 =	sor.u32 s26, s8;
	s2 =	sadd.s32 @!p0 s7, s2  }
0xb3: {  	[spmem:s4@s16], [sflag:s9] =	dma.strided @!p0 [hbm:s2@s15], $0x2000, s10, $0x10   }
0xb4: {  	s4 =	sadd.s32 @!p3 s14, s17;
	s9 =	stileid.u32;
	s2 =	rddreg [dreg:$0x3]  }
0xb5: {  	[tilespmem:s22], [sflag:$0x1] =	stream.indirect.gather [spmem:s2], $0x1, s11, s22, $0xb8;
	[tilespmem:$0x1F050] =	vst v63  }
0xb6: {  	s10 =	simm.s32 @p1 $0x2;
	s15 =	simm.s32 @!p3 $0x10;
	_ =	swait.ge [sflag:s23], $0x400  }
0xb7: {  	p0 =	slt.u32 @!p1 s6, $0xF;
	s2 =	sshrl.u32 s28, $0x3;
	[sflag:s23] =	ssyncset.done $0x0  }
0xb8: {  	s4 =	sshrl.u32 @!p3 s4, $0x3;
	s2 =	sadd.s32 s18, s2;
	[sflag:s23] =	ssyncadd.s32 $0xFFFFFC00  }
0xb9: {  	[hbm4b:s2+s20] =	stream.strided.scatter [tilespmem:s22], [sflag:$0x3], $0x400, s22, s20, $0x38;
	[tilespmem:$0x1F050] =	vst v63  }
0xba: {  	s8 =	sshll.u32 @!p3 s9, $0x6;
	s4 =	smul.u32 @!p3 $0x7A1400, s4;
	_ =	swait.ge [sflag:s21], $0x400  }
0xbb: {  	p4 =	por !p0, p1;
	s2 =	sadd.s32 @!p3 $0x100, s12;
	[sflag:s21] =	ssyncset.done $0x0  }
0xbc: {  	s4 =	sadd.s32 @!p3 s1, s4;
	s2 =	sand.u32 @!p3 $0x300, s2;
	[sflag:s21] =	ssyncadd.s32 $0xFFFFFC00  }
0xbd: {  	s2 =	sor.u32 @!p3 s2, s4;
	s4 =	sor.u32 @!p3 $0x1C02, s8;
	_ =	swait.ge @p1 [sflag:s10], $0x2000  }
0xbe: {  	s8 =	simm.s32 @!p3 $0x1;
	s2 =	sshrl.u32 @!p3 s2, $0x3;
	[sflag:s10] =	ssyncset.done @p1 $0x0  }
0xbf: {  	s2 =	sadd.s32 @!p3 s7, s2;
	s16 =	rddreg [dreg:$0x8];
	[sflag:s10] =	ssyncadd.s32 @p1 $0xFFFFE000  }
0xc0: {  	s16 =	sshrl.u32 @!p3 s16, $0x3;
	s10 =	simm.s32 @!p3 $0x80;
	[bflag:$0x0] =	sbarrier.arrive @p1 $0xFFFF  }
0xc1: {  	[spmem:s16@s15], [sflag:s4] =	dma.strided @!p3 [hbm:s2@s10], $0x2000, s8, $0x10   }
0xc2: {  	s29 =	sor.u32 s13, s3;
	s2 =	sadd.s32 @!p4 s14, s17  }
0xc3: {  	p2 =	por !p2, !p1;
	s0 =	sor.u32 s26, s29;
	s2 =	sshrl.u32 @!p4 s2, $0x3  }
0xc4: {  	p0 =	por @p1 $0x0, $0x0;
	s4 =	sadd.s32 @!p4 $0x100, s12;
	s2 =	smul.u32 @!p4 $0x7A1400, s2  }
0xc5: {  	s6 =	simm.s32 @!p4 $0x10;
	s8 =	simm.s32 @!p4 $0x1FC2;
	s4 =	sand.u32 @!p4 $0x300, s4  }
0xc6: {  	s10 =	simm.s32 @!p4 $0x80;
	s2 =	sor.u32 @!p4 s4, s2;
	s4 =	simm.s32 @!p1 $0x2  }
0xc7: {  	s12 =	simm.s32 @!p4 $0x1;
	p3 =	por @!p3 $0x1, $0x1;
	_ =	swait.ge @!p1 [sflag:s4], $0x850  }
0xc8: {  	p3 =	por @!p2 p0, p0;
	s2 =	sadd.s32 @!p4 $0x780000, s2;
	[sflag:s4] =	ssyncset.done @!p1 $0x0  }
0xc9: {  	s2 =	sshrl.u32 @!p4 s2, $0x3;
	[sflag:s4] =	ssyncadd.s32 @!p1 $0xFFFFF7B0;
	s4 =	rddreg [dreg:$0x9]  }
0xca: {  	s2 =	sadd.s32 @!p4 s7, s2;
	s4 =	sshrl.u32 @!p4 s4, $0x3;
	[bflag:$0x0] =	sbarrier.arrive @!p1 $0xFFFF  }
0xcb: {  	[spmem:s4@s6], [sflag:s8] =	dma.strided @!p4 [hbm:s2@s10], $0x850, s12, $0x10   }
0xcc: {  	[tilespmem:s22], [sflag:$0x1] =	stream.indirect.gather [spmem:s5], $0x1, s11, s22, $0xb8;
	[tilespmem:$0x1F050] =	vst v63  }
0xcd: {  	p0 =	por @!p1 $0x0, $0x0;
	p2 =	por @!p4 $0x1, $0x1;
	_ =	swait.ge [sflag:s23], $0x400  }
0xce: {  	s0 =	sshrl.u32 s0, $0x3;
	p0 =	por @!p4 p2, p2;
	[sflag:s23] =	ssyncset.done $0x0  }
0xcf: {  	s0 =	sadd.s32 s18, s0;
	p3 =	por @!p1 p0, p0;
	[sflag:s23] =	ssyncadd.s32 $0xFFFFFC00  }
0xd0: {  	[hbm4b:s0+s20] =	stream.strided.scatter [tilespmem:s22], [sflag:$0x3], $0x400, s22, s20, $0x38;
	[tilespmem:$0x1F050] =	vst v63  }
0xd1: {  	p0 =	seq.s32 @p3 s9, $0xF;
	_ =	swait.ge [sflag:s21], $0x400  }
0xd2: {  	p2 =	por !p0, !p3;
	[sflag:s21] =	ssyncset.done $0x0  }
0xd3: {  	s0 =	simm.s32 @!p2 $0x2;
	[sflag:s21] =	ssyncadd.s32 $0xFFFFFC00  }
0xd4: {  	_ =	swait.ge @!p2 [sflag:s0], $0x850  }
0xd5: {  	p0 =	por p0, !p3;
	[sflag:s0] =	ssyncset.done @!p2 $0x0  }
0xd6: {  	[sflag:s0] =	ssyncadd.s32 @!p2 $0xFFFFF7B0;
	s0 =	simm.s32 @!p0 $0x2  }
0xd7: {  	_ =	swait.ge @!p0 [sflag:s0], $0x2000  }
0xd8: {  	s30 =	rddreg [dreg:$0x1c]  }
0xd9: {  	[sflag:s0] =	ssyncset.done @!p0 $0x0;
	s31 =	rddreg [dreg:$0x18];
	s3 =	sadd.s32 $0x1, s30  }
0xda: {  	[sflag:s0] =	ssyncadd.s32 @!p0 $0xFFFFE000;
	p0 =	sne.s32 s3, s31  }
.Ltmp1:
0xdb: {  	_ = 	snop;
	(pc) =	sbr.rel @p0 .LBB2_1-.Ltmp1, $3  }
0xdc: {  	_ =	sdelay $0x1  }
0xdd: {  	s6 =	smov.u32 s5;
	[bflag:$0x0] =	sbarrier.arrive $0xFFFF  }
0xde: {  	s10 =	simm.s32 $0x80;
	s2 =	stileid.u32;
	s24 =	rddreg [dreg:$0x14]  }
0xdf: {  	_ =	sfence.sel $0x180000  }
0xe0: {  	[bflag:$0x0] =	sbarrier.arrive $0xFFFF  }
0xe1: {  	_ =	strace $0x90000047  }
0xe2: {  	[bflag:$0x2] =	sbarrier.arrive $0xFFFF  }
0xe3: {  	p0 =	sne.s32 s2, $0x0;
	s0 =	rddreg [dreg:$0x5]  }
0xe4: {  	s0 =	sadd.s32 @!p0 $0x100000, s0  }
0xe5: {  	[sflag:s0] =	ssyncadd.tile.s32 @!p0 $0x1;
	_ =	shalt  }
.Lfunc_end2:
_tile_overlayer_lowered:
.L_overlay_start_2:
0xe6: {  	(tag) =	ssettag $0x2  }
0xe7: {  	s0 =	rddreg [dreg:$0x0];
	s2 =	stileid.u32  }
0xe8: {  	s1 =	rddreg [dreg:$0x1];
	p0 =	sne.s32 s2, $0x0  }
0xe9: {  	s3 =	rddreg [dreg:$0x2];
	[bflag:$0x3] =	sbarrier.arrive $0xFFFF;
	s2 =	simm.s32 @!p0 $0x1C03  }
0xea: {  	[timem:s3], [sflag:s2] =	dma.local @!p0 [hbm:s0], s1  }
0xeb: {  	s0 =	simm.s32 @!p0 $0x3  }
0xec: {  	_ =	swait.ge @!p0 [sflag:s0], s1  }
0xed: {  	s1 =	ssub.s32 @!p0 $0x0, s1;
	[sflag:s0] =	ssyncset.done @!p0 $0x0  }
0xee: {  	[sflag:s0] =	ssyncadd.s32 @!p0 s1  }
0xef: {  	[bflag:$0x3] =	sbarrier.arrive $0xFFFF  }
0xf0: {  	_ =	shalt  }

</sc_bundles>
